<compile_context>
chip_gen: v7x
topology: tpu7x:2x2x1
jax: 0.10.2.dev20260603
libtpu: 0.0.44.dev20260713+nightly
codegen_flags: <defaults>
</compile_context>

<pallas_src>
import functools

import jax
import jax.numpy as jnp
from jax import lax
from jax.experimental import pallas as pl
from jax.experimental.pallas import tpu as pltpu
from jax.experimental.pallas import tpu_sc as plsc

DEPTH = 16
NUM_FEATURES = 128
NUM_CLASSES = 128
BATCH = 16384
_LANES = 16
_CH = 128


@functools.lru_cache(maxsize=None)
def _make_fused_kernel():
    info = plsc.get_sparse_core_info()
    nc, ns = info.num_cores, info.num_subcores
    nw = nc * ns
    rows_per_w = BATCH // nw
    nch = rows_per_w // _CH
    half = rows_per_w // 2

    @functools.partial(
        pl.kernel,
        mesh=plsc.VectorSubcoreMesh(core_axis_name="c", subcore_axis_name="s"),
        out_type=jax.ShapeDtypeStruct((BATCH, NUM_CLASSES), jnp.float32),
        scratch_types=[
            pltpu.VMEM((DEPTH, NUM_FEATURES), jnp.float32),
            pltpu.VMEM((2 * _LANES,), jnp.float32),
            pltpu.VMEM((2 * _LANES,), jnp.int32),
            pltpu.VMEM((rows_per_w, NUM_FEATURES), jnp.float32),
            pltpu.VMEM((_CH,), jnp.int32),
            pltpu.VMEM((_CH,), jnp.int32),
            pltpu.VMEM((_CH, NUM_CLASSES), jnp.float32),
            pltpu.VMEM((_CH, NUM_CLASSES), jnp.float32),
            pltpu.SemaphoreType.DMA,
            pltpu.SemaphoreType.DMA,
            pltpu.SemaphoreType.DMA,
            pltpu.SemaphoreType.DMA,
            pltpu.SemaphoreType.DMA,
            pltpu.SemaphoreType.DMA,
        ],
        compiler_params=pltpu.CompilerParams(needs_layout_passes=False),
    )
    def _fused(x_hbm, fw_hbm, thr_hbm, resp_hbm, out_hbm,
               fw_v, thr_v, bc_v, x_v, i0_v, i1_v, o0_v, o1_v,
               sxa, sxb, sg0, sg1, so0, so1):
        wid = lax.axis_index("s") * nc + lax.axis_index("c")
        base = wid * rows_per_w
        ibufs, obufs = (i0_v, i1_v), (o0_v, o1_v)
        sgs, sos = (sg0, sg1), (so0, so1)

        xcpa = pltpu.async_copy(x_hbm.at[pl.ds(base, half)],
                                x_v.at[pl.ds(0, half)], sxa)
        xcpb = pltpu.async_copy(x_hbm.at[pl.ds(base + half, half)],
                                x_v.at[pl.ds(half, half)], sxb)
        pltpu.sync_copy(fw_hbm, fw_v)
        pltpu.sync_copy(thr_hbm, thr_v.at[pl.ds(_LANES, DEPTH)])

        lanes = lax.broadcasted_iota(jnp.int32, (_LANES,), 0)

        def amax_body(c, carry):
            mxv, bestv = carry
            colv = plsc.load_gather(fw_v, [lanes, jnp.full((_LANES,), c,
                                                           jnp.int32)])
            upd = colv > mxv
            return (jnp.where(upd, colv, mxv), jnp.where(upd, c, bestv))

        mxv, bestv = lax.fori_loop(
            0, NUM_FEATURES, amax_body,
            (jnp.full((_LANES,), -jnp.inf, jnp.float32),
             jnp.zeros((_LANES,), jnp.int32)))
        bc_v[pl.ds(_LANES, _LANES)] = bestv

        fcols = [plsc.load_gather(
            bc_v, [jnp.full((_LANES,), _LANES + d, jnp.int32)])
            for d in range(DEPTH)]
        tvals = [plsc.load_gather(
            thr_v, [jnp.full((_LANES,), _LANES + d, jnp.int32)])
            for d in range(DEPTH)]

        ngrp_r = _CH // _LANES

        def _compute_idx(c, idx_ref):
            def body(g, _):
                rows = lanes + (c * _CH + g * _LANES)
                acc = jnp.zeros((_LANES,), jnp.int32)
                for d in range(DEPTH):
                    xv = plsc.load_gather(x_v, [rows, fcols[d]])
                    acc = acc + jnp.where(xv > tvals[d],
                                          jnp.int32(1 << (DEPTH - 1 - d)),
                                          jnp.int32(0))
                idx_ref[pl.ds(g * _LANES, _LANES)] = acc
                return _
            lax.fori_loop(0, ngrp_r, body, 0)

        gcp = [None] * nch
        ocp = [None] * nch
        for c in range(nch):
            if c == 0:
                xcpa.wait()
            if c == nch // 2:
                xcpb.wait()
            _compute_idx(c, ibufs[c % 2])
            if c >= 2:
                ocp[c - 2].wait()
            gcp[c] = pltpu.async_copy(resp_hbm.at[ibufs[c % 2]],
                                      obufs[c % 2], sgs[c % 2])
            if c >= 1:
                gcp[c - 1].wait()
                ocp[c - 1] = pltpu.async_copy(
                    obufs[(c - 1) % 2],
                    out_hbm.at[pl.ds(base + (c - 1) * _CH, _CH)],
                    sos[(c - 1) % 2])
        gcp[nch - 1].wait()
        ocp[nch - 1] = pltpu.async_copy(
            obufs[(nch - 1) % 2],
            out_hbm.at[pl.ds(base + (nch - 1) * _CH, _CH)],
            sos[(nch - 1) % 2])
        ocp[nch - 2].wait()
        ocp[nch - 1].wait()

    return _fused


def kernel(x, feature_weights, thresholds, responses):
    return _make_fused_kernel()(x, feature_weights, thresholds, responses)

# --- scband reference (transcript-rebuilt; emitter-appended) ---
"""Pipeline reference for scband-oblivious-decision-tree-55989193671486 (READ-ONLY COPY).

The authoritative reference and input builder live on the scoring server;
editing this copy changes nothing except your own understanding.
"""

import jax, jax.numpy as jnp
import numpy as np

DEPTH = 16
NUM_FEATURES = 128
NUM_CLASSES = 128
BATCH = 16384

def setup_inputs(seed: int = 0) -> dict:
    key = jax.random.key(seed)
    k1, k2, k3, k4 = jax.random.split(key, 4)
    x = jax.random.normal(k1, (BATCH, NUM_FEATURES), dtype=jnp.float32)
    feature_weights = jax.random.normal(k2, (DEPTH, NUM_FEATURES), dtype=jnp.float32)
    thresholds = jax.random.normal(k3, (DEPTH,), dtype=jnp.float32)
    responses = jax.random.normal(k4, (2 ** DEPTH, NUM_CLASSES), dtype=jnp.float32)
    return {"x": x, "feature_weights": feature_weights, "thresholds": thresholds, "responses": responses}

def reference(x, feature_weights, thresholds, responses):
    batch_size = x.shape[0]
    decision = jnp.zeros((batch_size,), dtype=jnp.float32)
    for d in range(DEPTH):
        feature_idx = jnp.argmax(feature_weights[d])
        feature_value = jnp.take(x, feature_idx, axis=1)
        decision_bit = (feature_value > thresholds[d]).astype(jnp.float32)
        decision = decision * 2.0 + decision_bit
    idx = decision.astype(jnp.int32)
    return jnp.take(responses, idx, axis=0)

if __name__ == "__main__":
    import jax
    _d = setup_inputs()
    print(jax.jit(kernel)(*tuple(_d.values())))

</pallas_src>

<mosaic_0001>
#map = affine_map<(d0, d1) -> (0, 0)>
#map1 = affine_map<(d0, d1) -> (0)>
module attributes {stable_mosaic.version = 14 : i64} {
  func.func @_fused(%arg0: i32, %arg1: i32, %arg2: memref<16384x128xf32, #tpu.memory_space<hbm>>, %arg3: memref<16x128xf32, #tpu.memory_space<hbm>>, %arg4: memref<16xf32, #tpu.memory_space<hbm>>, %arg5: memref<65536x128xf32, #tpu.memory_space<hbm>>, %arg6: memref<16384x128xf32, #tpu.memory_space<hbm>>, %arg7: memref<16x128xf32, #tpu.memory_space<vmem>>, %arg8: memref<32xf32, #tpu.memory_space<vmem>>, %arg9: memref<32xi32, #tpu.memory_space<vmem>>, %arg10: memref<512x128xf32, #tpu.memory_space<vmem>>, %arg11: memref<128xi32, #tpu.memory_space<vmem>>, %arg12: memref<128xi32, #tpu.memory_space<vmem>>, %arg13: memref<128x128xf32, #tpu.memory_space<vmem>>, %arg14: memref<128x128xf32, #tpu.memory_space<vmem>>, %arg15: memref<!tpu.dma_semaphore, #tpu.memory_space<semaphore_mem>>, %arg16: memref<!tpu.dma_semaphore, #tpu.memory_space<semaphore_mem>>, %arg17: memref<!tpu.dma_semaphore, #tpu.memory_space<semaphore_mem>>, %arg18: memref<!tpu.dma_semaphore, #tpu.memory_space<semaphore_mem>>, %arg19: memref<!tpu.dma_semaphore, #tpu.memory_space<semaphore_mem>>, %arg20: memref<!tpu.dma_semaphore, #tpu.memory_space<semaphore_mem>>) attributes {dimension_semantics = [#tpu.dimension_semantics<core_parallel>, #tpu.dimension_semantics<subcore_parallel>], iteration_bounds = array<i64: 2, 16>, scalar_prefetch = 0 : i64, scratch_operands = 14 : i64, tpu.core_type = #tpu.core_type<sc_vector_subcore>, window_params = [{transform_indices = #map}, {transform_indices = #map}, {transform_indices = #map1}, {transform_indices = #map}, {transform_indices = #map}]} {
    %mul3A = arith.constant 2 : i32
    %mul3A_0 = arith.muli %arg1, %mul3A : i32
    %add3A = arith.addi %mul3A_0, %arg0 : i32
    %mul3A_1 = arith.constant 512 : i32
    %mul3A_2 = arith.muli %add3A, %mul3A_1 : i32
    %dma_start3A = arith.constant 0 : i32
    %dma_start3A_3 = arith.constant 0 : i32
    %dma_start3A_4 = tpu.memref_slice %arg10[%dma_start3A, %dma_start3A_3] : memref<512x128xf32, #tpu.memory_space<vmem>> -> memref<256x128xf32, #tpu.memory_space<vmem>>
    %dma_start3A_5 = arith.constant 0 : i32
    %dma_start3A_6 = tpu.memref_slice %arg2[%mul3A_2, %dma_start3A_5] : memref<16384x128xf32, #tpu.memory_space<hbm>> -> memref<256x128xf32, #tpu.memory_space<hbm>>
    %dma_start3A_7 = arith.constant 0 : i32
    %dma_start3A_8 = arith.constant 0 : i32
    %dma_start3A_9 = tpu.memref_slice %arg10[%dma_start3A_7, %dma_start3A_8] : memref<512x128xf32, #tpu.memory_space<vmem>> -> memref<256x128xf32, #tpu.memory_space<vmem>>
    %dma_start3A_10 = arith.constant 0 : i32
    %dma_start3A_11 = tpu.memref_slice %arg2[%mul3A_2, %dma_start3A_10] : memref<16384x128xf32, #tpu.memory_space<hbm>> -> memref<256x128xf32, #tpu.memory_space<hbm>>
    tpu.enqueue_dma source(%dma_start3A_11 : memref<256x128xf32, #tpu.memory_space<hbm>>) target(%dma_start3A_9 : memref<256x128xf32, #tpu.memory_space<vmem>>) target_semaphore(%arg15 : memref<!tpu.dma_semaphore, #tpu.memory_space<semaphore_mem>>)
    %add3A_12 = arith.constant 256 : i32
    %add3A_13 = arith.addi %mul3A_2, %add3A_12 : i32
    %dma_start3A_14 = arith.constant 256 : i32
    %dma_start3A_15 = arith.constant 0 : i32
    %dma_start3A_16 = tpu.memref_slice %arg10[%dma_start3A_14, %dma_start3A_15] : memref<512x128xf32, #tpu.memory_space<vmem>> -> memref<256x128xf32, #tpu.memory_space<vmem>>
    %dma_start3A_17 = arith.constant 0 : i32
    %dma_start3A_18 = tpu.memref_slice %arg2[%add3A_13, %dma_start3A_17] : memref<16384x128xf32, #tpu.memory_space<hbm>> -> memref<256x128xf32, #tpu.memory_space<hbm>>
    %dma_start3A_19 = arith.constant 256 : i32
    %dma_start3A_20 = arith.constant 0 : i32
    %dma_start3A_21 = tpu.memref_slice %arg10[%dma_start3A_19, %dma_start3A_20] : memref<512x128xf32, #tpu.memory_space<vmem>> -> memref<256x128xf32, #tpu.memory_space<vmem>>
    %dma_start3A_22 = arith.constant 0 : i32
    %dma_start3A_23 = tpu.memref_slice %arg2[%add3A_13, %dma_start3A_22] : memref<16384x128xf32, #tpu.memory_space<hbm>> -> memref<256x128xf32, #tpu.memory_space<hbm>>
    tpu.enqueue_dma source(%dma_start3A_23 : memref<256x128xf32, #tpu.memory_space<hbm>>) target(%dma_start3A_21 : memref<256x128xf32, #tpu.memory_space<vmem>>) target_semaphore(%arg16 : memref<!tpu.dma_semaphore, #tpu.memory_space<semaphore_mem>>)
    "tpu.region"() ({
      %run_scoped3A = tpu.sem_alloc : memref<!tpu.dma_semaphore, #tpu.memory_space<semaphore_mem>>
      tpu.enqueue_dma source(%arg3 : memref<16x128xf32, #tpu.memory_space<hbm>>) target(%arg7 : memref<16x128xf32, #tpu.memory_space<vmem>>) target_semaphore(%run_scoped3A : memref<!tpu.dma_semaphore, #tpu.memory_space<semaphore_mem>>)
      tpu.wait_dma2 semaphore(%run_scoped3A : memref<!tpu.dma_semaphore, #tpu.memory_space<semaphore_mem>>) src(%arg3 : memref<16x128xf32, #tpu.memory_space<hbm>>) dst(%arg7 : memref<16x128xf32, #tpu.memory_space<vmem>>)
      tpu.yield
    }) : () -> ()
    "tpu.region"() ({
      %run_scoped3A = tpu.sem_alloc : memref<!tpu.dma_semaphore, #tpu.memory_space<semaphore_mem>>
      %dma_start3A_235 = arith.constant 16 : i32
      %dma_start3A_236 = tpu.memref_slice %arg8[%dma_start3A_235] : memref<32xf32, #tpu.memory_space<vmem>> -> memref<16xf32, #tpu.memory_space<vmem>>
      %dma_start3A_237 = arith.constant 16 : i32
      %dma_start3A_238 = tpu.memref_slice %arg8[%dma_start3A_237] : memref<32xf32, #tpu.memory_space<vmem>> -> memref<16xf32, #tpu.memory_space<vmem>>
      tpu.enqueue_dma source(%arg4 : memref<16xf32, #tpu.memory_space<hbm>>) target(%dma_start3A_238 : memref<16xf32, #tpu.memory_space<vmem>>) target_semaphore(%run_scoped3A : memref<!tpu.dma_semaphore, #tpu.memory_space<semaphore_mem>>)
      %dma_wait3A_239 = arith.constant 16 : i32
      %dma_wait3A_240 = tpu.memref_slice %arg8[%dma_wait3A_239] : memref<32xf32, #tpu.memory_space<vmem>> -> memref<16xf32, #tpu.memory_space<vmem>>
      %dma_wait3A_241 = arith.constant 16 : i32
      %dma_wait3A_242 = tpu.memref_slice %arg8[%dma_wait3A_241] : memref<32xf32, #tpu.memory_space<vmem>> -> memref<16xf32, #tpu.memory_space<vmem>>
      tpu.wait_dma2 semaphore(%run_scoped3A : memref<!tpu.dma_semaphore, #tpu.memory_space<semaphore_mem>>) src(%arg4 : memref<16xf32, #tpu.memory_space<hbm>>) dst(%dma_wait3A_242 : memref<16xf32, #tpu.memory_space<vmem>>)
      tpu.yield
    }) : () -> ()
    %iota3A = tpu.iota {dimensions = array<i32: 0>} : vector<16xi32>
    %broadcast_in_dim3A = arith.constant 0xFF800000 : f32
    %broadcast_in_dim3A_24 = vector.broadcast %broadcast_in_dim3A : f32 to vector<16xf32>
    %broadcast_in_dim3A_25 = arith.constant 0 : i32
    %broadcast_in_dim3A_26 = vector.broadcast %broadcast_in_dim3A_25 : i32 to vector<16xi32>
    %scan3A = arith.constant 0 : i32
    %scan3A_27 = arith.constant 128 : i32
    %scan3A_28 = arith.addi %scan3A, %scan3A_27 : i32
    %scan3A_29 = arith.constant 1 : i32
    %scan3A_30:2 = scf.for %scan3A_235 = %scan3A to %scan3A_28 step %scan3A_29 iter_args(%scan3A_236 = %broadcast_in_dim3A_24, %scan3A_237 = %broadcast_in_dim3A_26) -> (vector<16xf32>, vector<16xi32>)  : i32 {
      %broadcast_in_dim3A_238 = vector.broadcast %scan3A_235 : i32 to vector<16xi32>
      %gather3A_239 = tpu.vector_load_idx %arg7[%iota3A, %broadcast_in_dim3A_238] : memref<16x128xf32, #tpu.memory_space<vmem>>[vector<16xi32>, vector<16xi32>], vector<16xf32>,
      %gt3A = arith.cmpf ogt, %gather3A_239, %scan3A_236 : vector<16xf32>
      %select_n3A = arith.select %gt3A, %gather3A_239, %scan3A_236 : vector<16xi1>, vector<16xf32>
      %broadcast_in_dim3A_240 = vector.broadcast %scan3A_235 : i32 to vector<16xi32>
      %select_n3A_241 = arith.select %gt3A, %broadcast_in_dim3A_240, %scan3A_237 : vector<16xi1>, vector<16xi32>
      scf.yield %select_n3A, %select_n3A_241 : vector<16xf32>, vector<16xi32>
    }
    %scan3A_31 = arith.constant 128 : i32
    %swap3A = arith.constant 16 : index
    %swap3A_32 = tpu.vector_load %arg9[%swap3A] {strides = array<i32>} : memref<32xi32, #tpu.memory_space<vmem>>, vector<16xi32>,
    tpu.vector_store %arg9[%swap3A], %scan3A_30#1 {strides = array<i32>} : memref<32xi32, #tpu.memory_space<vmem>>, vector<16xi32>,
    %broadcast_in_dim3A_33 = arith.constant 16 : i32
    %broadcast_in_dim3A_34 = vector.broadcast %broadcast_in_dim3A_33 : i32 to vector<16xi32>
    %gather3A = tpu.vector_load_idx %arg9[%broadcast_in_dim3A_34] : memref<32xi32, #tpu.memory_space<vmem>>[vector<16xi32>], vector<16xi32>,
    %broadcast_in_dim3A_35 = arith.constant 17 : i32
    %broadcast_in_dim3A_36 = vector.broadcast %broadcast_in_dim3A_35 : i32 to vector<16xi32>
    %gather3A_37 = tpu.vector_load_idx %arg9[%broadcast_in_dim3A_36] : memref<32xi32, #tpu.memory_space<vmem>>[vector<16xi32>], vector<16xi32>,
    %broadcast_in_dim3A_38 = arith.constant 18 : i32
    %broadcast_in_dim3A_39 = vector.broadcast %broadcast_in_dim3A_38 : i32 to vector<16xi32>
    %gather3A_40 = tpu.vector_load_idx %arg9[%broadcast_in_dim3A_39] : memref<32xi32, #tpu.memory_space<vmem>>[vector<16xi32>], vector<16xi32>,
    %broadcast_in_dim3A_41 = arith.constant 19 : i32
    %broadcast_in_dim3A_42 = vector.broadcast %broadcast_in_dim3A_41 : i32 to vector<16xi32>
    %gather3A_43 = tpu.vector_load_idx %arg9[%broadcast_in_dim3A_42] : memref<32xi32, #tpu.memory_space<vmem>>[vector<16xi32>], vector<16xi32>,
    %broadcast_in_dim3A_44 = arith.constant 20 : i32
    %broadcast_in_dim3A_45 = vector.broadcast %broadcast_in_dim3A_44 : i32 to vector<16xi32>
    %gather3A_46 = tpu.vector_load_idx %arg9[%broadcast_in_dim3A_45] : memref<32xi32, #tpu.memory_space<vmem>>[vector<16xi32>], vector<16xi32>,
    %broadcast_in_dim3A_47 = arith.constant 21 : i32
    %broadcast_in_dim3A_48 = vector.broadcast %broadcast_in_dim3A_47 : i32 to vector<16xi32>
    %gather3A_49 = tpu.vector_load_idx %arg9[%broadcast_in_dim3A_48] : memref<32xi32, #tpu.memory_space<vmem>>[vector<16xi32>], vector<16xi32>,
    %broadcast_in_dim3A_50 = arith.constant 22 : i32
    %broadcast_in_dim3A_51 = vector.broadcast %broadcast_in_dim3A_50 : i32 to vector<16xi32>
    %gather3A_52 = tpu.vector_load_idx %arg9[%broadcast_in_dim3A_51] : memref<32xi32, #tpu.memory_space<vmem>>[vector<16xi32>], vector<16xi32>,
    %broadcast_in_dim3A_53 = arith.constant 23 : i32
    %broadcast_in_dim3A_54 = vector.broadcast %broadcast_in_dim3A_53 : i32 to vector<16xi32>
    %gather3A_55 = tpu.vector_load_idx %arg9[%broadcast_in_dim3A_54] : memref<32xi32, #tpu.memory_space<vmem>>[vector<16xi32>], vector<16xi32>,
    %broadcast_in_dim3A_56 = arith.constant 24 : i32
    %broadcast_in_dim3A_57 = vector.broadcast %broadcast_in_dim3A_56 : i32 to vector<16xi32>
    %gather3A_58 = tpu.vector_load_idx %arg9[%broadcast_in_dim3A_57] : memref<32xi32, #tpu.memory_space<vmem>>[vector<16xi32>], vector<16xi32>,
    %broadcast_in_dim3A_59 = arith.constant 25 : i32
    %broadcast_in_dim3A_60 = vector.broadcast %broadcast_in_dim3A_59 : i32 to vector<16xi32>
    %gather3A_61 = tpu.vector_load_idx %arg9[%broadcast_in_dim3A_60] : memref<32xi32, #tpu.memory_space<vmem>>[vector<16xi32>], vector<16xi32>,
    %broadcast_in_dim3A_62 = arith.constant 26 : i32
    %broadcast_in_dim3A_63 = vector.broadcast %broadcast_in_dim3A_62 : i32 to vector<16xi32>
    %gather3A_64 = tpu.vector_load_idx %arg9[%broadcast_in_dim3A_63] : memref<32xi32, #tpu.memory_space<vmem>>[vector<16xi32>], vector<16xi32>,
    %broadcast_in_dim3A_65 = arith.constant 27 : i32
    %broadcast_in_dim3A_66 = vector.broadcast %broadcast_in_dim3A_65 : i32 to vector<16xi32>
    %gather3A_67 = tpu.vector_load_idx %arg9[%broadcast_in_dim3A_66] : memref<32xi32, #tpu.memory_space<vmem>>[vector<16xi32>], vector<16xi32>,
    %broadcast_in_dim3A_68 = arith.constant 28 : i32
    %broadcast_in_dim3A_69 = vector.broadcast %broadcast_in_dim3A_68 : i32 to vector<16xi32>
    %gather3A_70 = tpu.vector_load_idx %arg9[%broadcast_in_dim3A_69] : memref<32xi32, #tpu.memory_space<vmem>>[vector<16xi32>], vector<16xi32>,
    %broadcast_in_dim3A_71 = arith.constant 29 : i32
    %broadcast_in_dim3A_72 = vector.broadcast %broadcast_in_dim3A_71 : i32 to vector<16xi32>
    %gather3A_73 = tpu.vector_load_idx %arg9[%broadcast_in_dim3A_72] : memref<32xi32, #tpu.memory_space<vmem>>[vector<16xi32>], vector<16xi32>,
    %broadcast_in_dim3A_74 = arith.constant 30 : i32
    %broadcast_in_dim3A_75 = vector.broadcast %broadcast_in_dim3A_74 : i32 to vector<16xi32>
    %gather3A_76 = tpu.vector_load_idx %arg9[%broadcast_in_dim3A_75] : memref<32xi32, #tpu.memory_space<vmem>>[vector<16xi32>], vector<16xi32>,
    %broadcast_in_dim3A_77 = arith.constant 31 : i32
    %broadcast_in_dim3A_78 = vector.broadcast %broadcast_in_dim3A_77 : i32 to vector<16xi32>
    %gather3A_79 = tpu.vector_load_idx %arg9[%broadcast_in_dim3A_78] : memref<32xi32, #tpu.memory_space<vmem>>[vector<16xi32>], vector<16xi32>,
    %broadcast_in_dim3A_80 = arith.constant 16 : i32
    %broadcast_in_dim3A_81 = vector.broadcast %broadcast_in_dim3A_80 : i32 to vector<16xi32>
    %gather3A_82 = tpu.vector_load_idx %arg8[%broadcast_in_dim3A_81] : memref<32xf32, #tpu.memory_space<vmem>>[vector<16xi32>], vector<16xf32>,
    %broadcast_in_dim3A_83 = arith.constant 17 : i32
    %broadcast_in_dim3A_84 = vector.broadcast %broadcast_in_dim3A_83 : i32 to vector<16xi32>
    %gather3A_85 = tpu.vector_load_idx %arg8[%broadcast_in_dim3A_84] : memref<32xf32, #tpu.memory_space<vmem>>[vector<16xi32>], vector<16xf32>,
    %broadcast_in_dim3A_86 = arith.constant 18 : i32
    %broadcast_in_dim3A_87 = vector.broadcast %broadcast_in_dim3A_86 : i32 to vector<16xi32>
    %gather3A_88 = tpu.vector_load_idx %arg8[%broadcast_in_dim3A_87] : memref<32xf32, #tpu.memory_space<vmem>>[vector<16xi32>], vector<16xf32>,
    %broadcast_in_dim3A_89 = arith.constant 19 : i32
    %broadcast_in_dim3A_90 = vector.broadcast %broadcast_in_dim3A_89 : i32 to vector<16xi32>
    %gather3A_91 = tpu.vector_load_idx %arg8[%broadcast_in_dim3A_90] : memref<32xf32, #tpu.memory_space<vmem>>[vector<16xi32>], vector<16xf32>,
    %broadcast_in_dim3A_92 = arith.constant 20 : i32
    %broadcast_in_dim3A_93 = vector.broadcast %broadcast_in_dim3A_92 : i32 to vector<16xi32>
    %gather3A_94 = tpu.vector_load_idx %arg8[%broadcast_in_dim3A_93] : memref<32xf32, #tpu.memory_space<vmem>>[vector<16xi32>], vector<16xf32>,
    %broadcast_in_dim3A_95 = arith.constant 21 : i32
    %broadcast_in_dim3A_96 = vector.broadcast %broadcast_in_dim3A_95 : i32 to vector<16xi32>
    %gather3A_97 = tpu.vector_load_idx %arg8[%broadcast_in_dim3A_96] : memref<32xf32, #tpu.memory_space<vmem>>[vector<16xi32>], vector<16xf32>,
    %broadcast_in_dim3A_98 = arith.constant 22 : i32
    %broadcast_in_dim3A_99 = vector.broadcast %broadcast_in_dim3A_98 : i32 to vector<16xi32>
    %gather3A_100 = tpu.vector_load_idx %arg8[%broadcast_in_dim3A_99] : memref<32xf32, #tpu.memory_space<vmem>>[vector<16xi32>], vector<16xf32>,
    %broadcast_in_dim3A_101 = arith.constant 23 : i32
    %broadcast_in_dim3A_102 = vector.broadcast %broadcast_in_dim3A_101 : i32 to vector<16xi32>
    %gather3A_103 = tpu.vector_load_idx %arg8[%broadcast_in_dim3A_102] : memref<32xf32, #tpu.memory_space<vmem>>[vector<16xi32>], vector<16xf32>,
    %broadcast_in_dim3A_104 = arith.constant 24 : i32
    %broadcast_in_dim3A_105 = vector.broadcast %broadcast_in_dim3A_104 : i32 to vector<16xi32>
    %gather3A_106 = tpu.vector_load_idx %arg8[%broadcast_in_dim3A_105] : memref<32xf32, #tpu.memory_space<vmem>>[vector<16xi32>], vector<16xf32>,
    %broadcast_in_dim3A_107 = arith.constant 25 : i32
    %broadcast_in_dim3A_108 = vector.broadcast %broadcast_in_dim3A_107 : i32 to vector<16xi32>
    %gather3A_109 = tpu.vector_load_idx %arg8[%broadcast_in_dim3A_108] : memref<32xf32, #tpu.memory_space<vmem>>[vector<16xi32>], vector<16xf32>,
    %broadcast_in_dim3A_110 = arith.constant 26 : i32
    %broadcast_in_dim3A_111 = vector.broadcast %broadcast_in_dim3A_110 : i32 to vector<16xi32>
    %gather3A_112 = tpu.vector_load_idx %arg8[%broadcast_in_dim3A_111] : memref<32xf32, #tpu.memory_space<vmem>>[vector<16xi32>], vector<16xf32>,
    %broadcast_in_dim3A_113 = arith.constant 27 : i32
    %broadcast_in_dim3A_114 = vector.broadcast %broadcast_in_dim3A_113 : i32 to vector<16xi32>
    %gather3A_115 = tpu.vector_load_idx %arg8[%broadcast_in_dim3A_114] : memref<32xf32, #tpu.memory_space<vmem>>[vector<16xi32>], vector<16xf32>,
    %broadcast_in_dim3A_116 = arith.constant 28 : i32
    %broadcast_in_dim3A_117 = vector.broadcast %broadcast_in_dim3A_116 : i32 to vector<16xi32>
    %gather3A_118 = tpu.vector_load_idx %arg8[%broadcast_in_dim3A_117] : memref<32xf32, #tpu.memory_space<vmem>>[vector<16xi32>], vector<16xf32>,
    %broadcast_in_dim3A_119 = arith.constant 29 : i32
    %broadcast_in_dim3A_120 = vector.broadcast %broadcast_in_dim3A_119 : i32 to vector<16xi32>
    %gather3A_121 = tpu.vector_load_idx %arg8[%broadcast_in_dim3A_120] : memref<32xf32, #tpu.memory_space<vmem>>[vector<16xi32>], vector<16xf32>,
    %broadcast_in_dim3A_122 = arith.constant 30 : i32
    %broadcast_in_dim3A_123 = vector.broadcast %broadcast_in_dim3A_122 : i32 to vector<16xi32>
    %gather3A_124 = tpu.vector_load_idx %arg8[%broadcast_in_dim3A_123] : memref<32xf32, #tpu.memory_space<vmem>>[vector<16xi32>], vector<16xf32>,
    %broadcast_in_dim3A_125 = arith.constant 31 : i32
    %broadcast_in_dim3A_126 = vector.broadcast %broadcast_in_dim3A_125 : i32 to vector<16xi32>
    %gather3A_127 = tpu.vector_load_idx %arg8[%broadcast_in_dim3A_126] : memref<32xf32, #tpu.memory_space<vmem>>[vector<16xi32>], vector<16xf32>,
    %dma_wait3A = arith.constant 0 : i32
    %dma_wait3A_128 = arith.constant 0 : i32
    %dma_wait3A_129 = tpu.memref_slice %arg10[%dma_wait3A, %dma_wait3A_128] : memref<512x128xf32, #tpu.memory_space<vmem>> -> memref<256x128xf32, #tpu.memory_space<vmem>>
    %dma_wait3A_130 = arith.constant 0 : i32
    %dma_wait3A_131 = tpu.memref_slice %arg2[%mul3A_2, %dma_wait3A_130] : memref<16384x128xf32, #tpu.memory_space<hbm>> -> memref<256x128xf32, #tpu.memory_space<hbm>>
    %dma_wait3A_132 = arith.constant 0 : i32
    %dma_wait3A_133 = arith.constant 0 : i32
    %dma_wait3A_134 = tpu.memref_slice %arg10[%dma_wait3A_132, %dma_wait3A_133] : memref<512x128xf32, #tpu.memory_space<vmem>> -> memref<256x128xf32, #tpu.memory_space<vmem>>
    %dma_wait3A_135 = arith.constant 0 : i32
    %dma_wait3A_136 = tpu.memref_slice %arg2[%mul3A_2, %dma_wait3A_135] : memref<16384x128xf32, #tpu.memory_space<hbm>> -> memref<256x128xf32, #tpu.memory_space<hbm>>
    tpu.wait_dma2 semaphore(%arg15 : memref<!tpu.dma_semaphore, #tpu.memory_space<semaphore_mem>>) src(%dma_wait3A_136 : memref<256x128xf32, #tpu.memory_space<hbm>>) dst(%dma_wait3A_134 : memref<256x128xf32, #tpu.memory_space<vmem>>)
    %scan3A_137 = arith.constant 0 : i32
    %scan3A_138 = arith.constant 0 : i32
    %scan3A_139 = arith.constant 8 : i32
    %scan3A_140 = arith.addi %scan3A_138, %scan3A_139 : i32
    %scan3A_141 = arith.constant 1 : i32
    scf.for %scan3A_235 = %scan3A_138 to %scan3A_140 step %scan3A_141  : i32 {
      %mul3A_236 = arith.constant 16 : i32
      %mul3A_237 = arith.muli %scan3A_235, %mul3A_236 : i32
      %add3A_238 = arith.constant 0 : i32
      %add3A_239 = arith.addi %add3A_238, %mul3A_237 : i32
      %add3A_240 = vector.broadcast %add3A_239 : i32 to vector<16xi32>
      %add3A_241 = arith.addi %iota3A, %add3A_240 : vector<16xi32>
      %broadcast_in_dim3A_242 = arith.constant 0 : i32
      %broadcast_in_dim3A_243 = vector.broadcast %broadcast_in_dim3A_242 : i32 to vector<16xi32>
      %gather3A_244 = tpu.vector_load_idx %arg10[%add3A_241, %gather3A] : memref<512x128xf32, #tpu.memory_space<vmem>>[vector<16xi32>, vector<16xi32>], vector<16xf32>,
      %gt3A = arith.cmpf ogt, %gather3A_244, %gather3A_82 : vector<16xf32>
      %jit3A = arith.constant 32768 : i32
      %jit3A_245 = arith.constant 0 : i32
      %broadcast_in_dim3A_246 = vector.broadcast %jit3A : i32 to vector<16xi32>
      %broadcast_in_dim3A_247 = vector.broadcast %jit3A_245 : i32 to vector<16xi32>
      %select_n3A = arith.select %gt3A, %broadcast_in_dim3A_246, %broadcast_in_dim3A_247 : vector<16xi1>, vector<16xi32>
      %add3A_248 = arith.addi %broadcast_in_dim3A_243, %select_n3A : vector<16xi32>
      %gather3A_249 = tpu.vector_load_idx %arg10[%add3A_241, %gather3A_37] : memref<512x128xf32, #tpu.memory_space<vmem>>[vector<16xi32>, vector<16xi32>], vector<16xf32>,
      %gt3A_250 = arith.cmpf ogt, %gather3A_249, %gather3A_85 : vector<16xf32>
      %jit3A_251 = arith.constant 16384 : i32
      %jit3A_252 = arith.constant 0 : i32
      %broadcast_in_dim3A_253 = vector.broadcast %jit3A_251 : i32 to vector<16xi32>
      %broadcast_in_dim3A_254 = vector.broadcast %jit3A_252 : i32 to vector<16xi32>
      %select_n3A_255 = arith.select %gt3A_250, %broadcast_in_dim3A_253, %broadcast_in_dim3A_254 : vector<16xi1>, vector<16xi32>
      %add3A_256 = arith.addi %add3A_248, %select_n3A_255 : vector<16xi32>
      %gather3A_257 = tpu.vector_load_idx %arg10[%add3A_241, %gather3A_40] : memref<512x128xf32, #tpu.memory_space<vmem>>[vector<16xi32>, vector<16xi32>], vector<16xf32>,
      %gt3A_258 = arith.cmpf ogt, %gather3A_257, %gather3A_88 : vector<16xf32>
      %jit3A_259 = arith.constant 8192 : i32
      %jit3A_260 = arith.constant 0 : i32
      %broadcast_in_dim3A_261 = vector.broadcast %jit3A_259 : i32 to vector<16xi32>
      %broadcast_in_dim3A_262 = vector.broadcast %jit3A_260 : i32 to vector<16xi32>
      %select_n3A_263 = arith.select %gt3A_258, %broadcast_in_dim3A_261, %broadcast_in_dim3A_262 : vector<16xi1>, vector<16xi32>
      %add3A_264 = arith.addi %add3A_256, %select_n3A_263 : vector<16xi32>
      %gather3A_265 = tpu.vector_load_idx %arg10[%add3A_241, %gather3A_43] : memref<512x128xf32, #tpu.memory_space<vmem>>[vector<16xi32>, vector<16xi32>], vector<16xf32>,
      %gt3A_266 = arith.cmpf ogt, %gather3A_265, %gather3A_91 : vector<16xf32>
      %jit3A_267 = arith.constant 4096 : i32
      %jit3A_268 = arith.constant 0 : i32
      %broadcast_in_dim3A_269 = vector.broadcast %jit3A_267 : i32 to vector<16xi32>
      %broadcast_in_dim3A_270 = vector.broadcast %jit3A_268 : i32 to vector<16xi32>
      %select_n3A_271 = arith.select %gt3A_266, %broadcast_in_dim3A_269, %broadcast_in_dim3A_270 : vector<16xi1>, vector<16xi32>
      %add3A_272 = arith.addi %add3A_264, %select_n3A_271 : vector<16xi32>
      %gather3A_273 = tpu.vector_load_idx %arg10[%add3A_241, %gather3A_46] : memref<512x128xf32, #tpu.memory_space<vmem>>[vector<16xi32>, vector<16xi32>], vector<16xf32>,
      %gt3A_274 = arith.cmpf ogt, %gather3A_273, %gather3A_94 : vector<16xf32>
      %jit3A_275 = arith.constant 2048 : i32
      %jit3A_276 = arith.constant 0 : i32
      %broadcast_in_dim3A_277 = vector.broadcast %jit3A_275 : i32 to vector<16xi32>
      %broadcast_in_dim3A_278 = vector.broadcast %jit3A_276 : i32 to vector<16xi32>
      %select_n3A_279 = arith.select %gt3A_274, %broadcast_in_dim3A_277, %broadcast_in_dim3A_278 : vector<16xi1>, vector<16xi32>
      %add3A_280 = arith.addi %add3A_272, %select_n3A_279 : vector<16xi32>
      %gather3A_281 = tpu.vector_load_idx %arg10[%add3A_241, %gather3A_49] : memref<512x128xf32, #tpu.memory_space<vmem>>[vector<16xi32>, vector<16xi32>], vector<16xf32>,
      %gt3A_282 = arith.cmpf ogt, %gather3A_281, %gather3A_97 : vector<16xf32>
      %jit3A_283 = arith.constant 1024 : i32
      %jit3A_284 = arith.constant 0 : i32
      %broadcast_in_dim3A_285 = vector.broadcast %jit3A_283 : i32 to vector<16xi32>
      %broadcast_in_dim3A_286 = vector.broadcast %jit3A_284 : i32 to vector<16xi32>
      %select_n3A_287 = arith.select %gt3A_282, %broadcast_in_dim3A_285, %broadcast_in_dim3A_286 : vector<16xi1>, vector<16xi32>
      %add3A_288 = arith.addi %add3A_280, %select_n3A_287 : vector<16xi32>
      %gather3A_289 = tpu.vector_load_idx %arg10[%add3A_241, %gather3A_52] : memref<512x128xf32, #tpu.memory_space<vmem>>[vector<16xi32>, vector<16xi32>], vector<16xf32>,
      %gt3A_290 = arith.cmpf ogt, %gather3A_289, %gather3A_100 : vector<16xf32>
      %jit3A_291 = arith.constant 512 : i32
      %jit3A_292 = arith.constant 0 : i32
      %broadcast_in_dim3A_293 = vector.broadcast %jit3A_291 : i32 to vector<16xi32>
      %broadcast_in_dim3A_294 = vector.broadcast %jit3A_292 : i32 to vector<16xi32>
      %select_n3A_295 = arith.select %gt3A_290, %broadcast_in_dim3A_293, %broadcast_in_dim3A_294 : vector<16xi1>, vector<16xi32>
      %add3A_296 = arith.addi %add3A_288, %select_n3A_295 : vector<16xi32>
      %gather3A_297 = tpu.vector_load_idx %arg10[%add3A_241, %gather3A_55] : memref<512x128xf32, #tpu.memory_space<vmem>>[vector<16xi32>, vector<16xi32>], vector<16xf32>,
      %gt3A_298 = arith.cmpf ogt, %gather3A_297, %gather3A_103 : vector<16xf32>
      %jit3A_299 = arith.constant 256 : i32
      %jit3A_300 = arith.constant 0 : i32
      %broadcast_in_dim3A_301 = vector.broadcast %jit3A_299 : i32 to vector<16xi32>
      %broadcast_in_dim3A_302 = vector.broadcast %jit3A_300 : i32 to vector<16xi32>
      %select_n3A_303 = arith.select %gt3A_298, %broadcast_in_dim3A_301, %broadcast_in_dim3A_302 : vector<16xi1>, vector<16xi32>
      %add3A_304 = arith.addi %add3A_296, %select_n3A_303 : vector<16xi32>
      %gather3A_305 = tpu.vector_load_idx %arg10[%add3A_241, %gather3A_58] : memref<512x128xf32, #tpu.memory_space<vmem>>[vector<16xi32>, vector<16xi32>], vector<16xf32>,
      %gt3A_306 = arith.cmpf ogt, %gather3A_305, %gather3A_106 : vector<16xf32>
      %jit3A_307 = arith.constant 128 : i32
      %jit3A_308 = arith.constant 0 : i32
      %broadcast_in_dim3A_309 = vector.broadcast %jit3A_307 : i32 to vector<16xi32>
      %broadcast_in_dim3A_310 = vector.broadcast %jit3A_308 : i32 to vector<16xi32>
      %select_n3A_311 = arith.select %gt3A_306, %broadcast_in_dim3A_309, %broadcast_in_dim3A_310 : vector<16xi1>, vector<16xi32>
      %add3A_312 = arith.addi %add3A_304, %select_n3A_311 : vector<16xi32>
      %gather3A_313 = tpu.vector_load_idx %arg10[%add3A_241, %gather3A_61] : memref<512x128xf32, #tpu.memory_space<vmem>>[vector<16xi32>, vector<16xi32>], vector<16xf32>,
      %gt3A_314 = arith.cmpf ogt, %gather3A_313, %gather3A_109 : vector<16xf32>
      %jit3A_315 = arith.constant 64 : i32
      %jit3A_316 = arith.constant 0 : i32
      %broadcast_in_dim3A_317 = vector.broadcast %jit3A_315 : i32 to vector<16xi32>
      %broadcast_in_dim3A_318 = vector.broadcast %jit3A_316 : i32 to vector<16xi32>
      %select_n3A_319 = arith.select %gt3A_314, %broadcast_in_dim3A_317, %broadcast_in_dim3A_318 : vector<16xi1>, vector<16xi32>
      %add3A_320 = arith.addi %add3A_312, %select_n3A_319 : vector<16xi32>
      %gather3A_321 = tpu.vector_load_idx %arg10[%add3A_241, %gather3A_64] : memref<512x128xf32, #tpu.memory_space<vmem>>[vector<16xi32>, vector<16xi32>], vector<16xf32>,
      %gt3A_322 = arith.cmpf ogt, %gather3A_321, %gather3A_112 : vector<16xf32>
      %jit3A_323 = arith.constant 32 : i32
      %jit3A_324 = arith.constant 0 : i32
      %broadcast_in_dim3A_325 = vector.broadcast %jit3A_323 : i32 to vector<16xi32>
      %broadcast_in_dim3A_326 = vector.broadcast %jit3A_324 : i32 to vector<16xi32>
      %select_n3A_327 = arith.select %gt3A_322, %broadcast_in_dim3A_325, %broadcast_in_dim3A_326 : vector<16xi1>, vector<16xi32>
      %add3A_328 = arith.addi %add3A_320, %select_n3A_327 : vector<16xi32>
      %gather3A_329 = tpu.vector_load_idx %arg10[%add3A_241, %gather3A_67] : memref<512x128xf32, #tpu.memory_space<vmem>>[vector<16xi32>, vector<16xi32>], vector<16xf32>,
      %gt3A_330 = arith.cmpf ogt, %gather3A_329, %gather3A_115 : vector<16xf32>
      %jit3A_331 = arith.constant 16 : i32
      %jit3A_332 = arith.constant 0 : i32
      %broadcast_in_dim3A_333 = vector.broadcast %jit3A_331 : i32 to vector<16xi32>
      %broadcast_in_dim3A_334 = vector.broadcast %jit3A_332 : i32 to vector<16xi32>
      %select_n3A_335 = arith.select %gt3A_330, %broadcast_in_dim3A_333, %broadcast_in_dim3A_334 : vector<16xi1>, vector<16xi32>
      %add3A_336 = arith.addi %add3A_328, %select_n3A_335 : vector<16xi32>
      %gather3A_337 = tpu.vector_load_idx %arg10[%add3A_241, %gather3A_70] : memref<512x128xf32, #tpu.memory_space<vmem>>[vector<16xi32>, vector<16xi32>], vector<16xf32>,
      %gt3A_338 = arith.cmpf ogt, %gather3A_337, %gather3A_118 : vector<16xf32>
      %jit3A_339 = arith.constant 8 : i32
      %jit3A_340 = arith.constant 0 : i32
      %broadcast_in_dim3A_341 = vector.broadcast %jit3A_339 : i32 to vector<16xi32>
      %broadcast_in_dim3A_342 = vector.broadcast %jit3A_340 : i32 to vector<16xi32>
      %select_n3A_343 = arith.select %gt3A_338, %broadcast_in_dim3A_341, %broadcast_in_dim3A_342 : vector<16xi1>, vector<16xi32>
      %add3A_344 = arith.addi %add3A_336, %select_n3A_343 : vector<16xi32>
      %gather3A_345 = tpu.vector_load_idx %arg10[%add3A_241, %gather3A_73] : memref<512x128xf32, #tpu.memory_space<vmem>>[vector<16xi32>, vector<16xi32>], vector<16xf32>,
      %gt3A_346 = arith.cmpf ogt, %gather3A_345, %gather3A_121 : vector<16xf32>
      %jit3A_347 = arith.constant 4 : i32
      %jit3A_348 = arith.constant 0 : i32
      %broadcast_in_dim3A_349 = vector.broadcast %jit3A_347 : i32 to vector<16xi32>
      %broadcast_in_dim3A_350 = vector.broadcast %jit3A_348 : i32 to vector<16xi32>
      %select_n3A_351 = arith.select %gt3A_346, %broadcast_in_dim3A_349, %broadcast_in_dim3A_350 : vector<16xi1>, vector<16xi32>
      %add3A_352 = arith.addi %add3A_344, %select_n3A_351 : vector<16xi32>
      %gather3A_353 = tpu.vector_load_idx %arg10[%add3A_241, %gather3A_76] : memref<512x128xf32, #tpu.memory_space<vmem>>[vector<16xi32>, vector<16xi32>], vector<16xf32>,
      %gt3A_354 = arith.cmpf ogt, %gather3A_353, %gather3A_124 : vector<16xf32>
      %jit3A_355 = arith.constant 2 : i32
      %jit3A_356 = arith.constant 0 : i32
      %broadcast_in_dim3A_357 = vector.broadcast %jit3A_355 : i32 to vector<16xi32>
      %broadcast_in_dim3A_358 = vector.broadcast %jit3A_356 : i32 to vector<16xi32>
      %select_n3A_359 = arith.select %gt3A_354, %broadcast_in_dim3A_357, %broadcast_in_dim3A_358 : vector<16xi1>, vector<16xi32>
      %add3A_360 = arith.addi %add3A_352, %select_n3A_359 : vector<16xi32>
      %gather3A_361 = tpu.vector_load_idx %arg10[%add3A_241, %gather3A_79] : memref<512x128xf32, #tpu.memory_space<vmem>>[vector<16xi32>, vector<16xi32>], vector<16xf32>,
      %gt3A_362 = arith.cmpf ogt, %gather3A_361, %gather3A_127 : vector<16xf32>
      %jit3A_363 = arith.constant 1 : i32
      %jit3A_364 = arith.constant 0 : i32
      %broadcast_in_dim3A_365 = vector.broadcast %jit3A_363 : i32 to vector<16xi32>
      %broadcast_in_dim3A_366 = vector.broadcast %jit3A_364 : i32 to vector<16xi32>
      %select_n3A_367 = arith.select %gt3A_362, %broadcast_in_dim3A_365, %broadcast_in_dim3A_366 : vector<16xi1>, vector<16xi32>
      %add3A_368 = arith.addi %add3A_360, %select_n3A_367 : vector<16xi32>
      %mul3A_369 = arith.constant 16 : i32
      %mul3A_370 = arith.muli %scan3A_235, %mul3A_369 : i32
      %swap3A_371 = arith.index_cast %mul3A_370 : i32 to index
      %swap3A_372 = tpu.vector_load %arg11[%swap3A_371] {strides = array<i32>} : memref<128xi32, #tpu.memory_space<vmem>>, vector<16xi32>,
      tpu.vector_store %arg11[%swap3A_371], %add3A_368 {strides = array<i32>} : memref<128xi32, #tpu.memory_space<vmem>>, vector<16xi32>,
    }
    %scan3A_142 = arith.constant 8 : i32
    %dma_start3A_143 = arith.constant 0 : i32
    %dma_start3A_144 = arith.constant 0 : i32
    %dma_start3A_145 = tpu.memref_slice %arg5[%dma_start3A_143, %dma_start3A_144] : memref<65536x128xf32, #tpu.memory_space<hbm>> -> memref<65536x128xf32, #tpu.memory_space<hbm>>
    tpu.enqueue_indirect_dma source(%dma_start3A_145 : memref<65536x128xf32, #tpu.memory_space<hbm>>) target(%arg13 : memref<128x128xf32, #tpu.memory_space<vmem>>) offsets(%arg11 : memref<128xi32, #tpu.memory_space<vmem>>) semaphore(%arg17 : memref<!tpu.dma_semaphore, #tpu.memory_space<semaphore_mem>>)
    %scan3A_146 = arith.constant 0 : i32
    %scan3A_147 = arith.constant 0 : i32
    %scan3A_148 = arith.constant 8 : i32
    %scan3A_149 = arith.addi %scan3A_147, %scan3A_148 : i32
    %scan3A_150 = arith.constant 1 : i32
    scf.for %scan3A_235 = %scan3A_147 to %scan3A_149 step %scan3A_150  : i32 {
      %mul3A_236 = arith.constant 16 : i32
      %mul3A_237 = arith.muli %scan3A_235, %mul3A_236 : i32
      %add3A_238 = arith.constant 128 : i32
      %add3A_239 = arith.addi %add3A_238, %mul3A_237 : i32
      %add3A_240 = vector.broadcast %add3A_239 : i32 to vector<16xi32>
      %add3A_241 = arith.addi %iota3A, %add3A_240 : vector<16xi32>
      %broadcast_in_dim3A_242 = arith.constant 0 : i32
      %broadcast_in_dim3A_243 = vector.broadcast %broadcast_in_dim3A_242 : i32 to vector<16xi32>
      %gather3A_244 = tpu.vector_load_idx %arg10[%add3A_241, %gather3A] : memref<512x128xf32, #tpu.memory_space<vmem>>[vector<16xi32>, vector<16xi32>], vector<16xf32>,
      %gt3A = arith.cmpf ogt, %gather3A_244, %gather3A_82 : vector<16xf32>
      %jit3A = arith.constant 32768 : i32
      %jit3A_245 = arith.constant 0 : i32
      %broadcast_in_dim3A_246 = vector.broadcast %jit3A : i32 to vector<16xi32>
      %broadcast_in_dim3A_247 = vector.broadcast %jit3A_245 : i32 to vector<16xi32>
      %select_n3A = arith.select %gt3A, %broadcast_in_dim3A_246, %broadcast_in_dim3A_247 : vector<16xi1>, vector<16xi32>
      %add3A_248 = arith.addi %broadcast_in_dim3A_243, %select_n3A : vector<16xi32>
      %gather3A_249 = tpu.vector_load_idx %arg10[%add3A_241, %gather3A_37] : memref<512x128xf32, #tpu.memory_space<vmem>>[vector<16xi32>, vector<16xi32>], vector<16xf32>,
      %gt3A_250 = arith.cmpf ogt, %gather3A_249, %gather3A_85 : vector<16xf32>
      %jit3A_251 = arith.constant 16384 : i32
      %jit3A_252 = arith.constant 0 : i32
      %broadcast_in_dim3A_253 = vector.broadcast %jit3A_251 : i32 to vector<16xi32>
      %broadcast_in_dim3A_254 = vector.broadcast %jit3A_252 : i32 to vector<16xi32>
      %select_n3A_255 = arith.select %gt3A_250, %broadcast_in_dim3A_253, %broadcast_in_dim3A_254 : vector<16xi1>, vector<16xi32>
      %add3A_256 = arith.addi %add3A_248, %select_n3A_255 : vector<16xi32>
      %gather3A_257 = tpu.vector_load_idx %arg10[%add3A_241, %gather3A_40] : memref<512x128xf32, #tpu.memory_space<vmem>>[vector<16xi32>, vector<16xi32>], vector<16xf32>,
      %gt3A_258 = arith.cmpf ogt, %gather3A_257, %gather3A_88 : vector<16xf32>
      %jit3A_259 = arith.constant 8192 : i32
      %jit3A_260 = arith.constant 0 : i32
      %broadcast_in_dim3A_261 = vector.broadcast %jit3A_259 : i32 to vector<16xi32>
      %broadcast_in_dim3A_262 = vector.broadcast %jit3A_260 : i32 to vector<16xi32>
      %select_n3A_263 = arith.select %gt3A_258, %broadcast_in_dim3A_261, %broadcast_in_dim3A_262 : vector<16xi1>, vector<16xi32>
      %add3A_264 = arith.addi %add3A_256, %select_n3A_263 : vector<16xi32>
      %gather3A_265 = tpu.vector_load_idx %arg10[%add3A_241, %gather3A_43] : memref<512x128xf32, #tpu.memory_space<vmem>>[vector<16xi32>, vector<16xi32>], vector<16xf32>,
      %gt3A_266 = arith.cmpf ogt, %gather3A_265, %gather3A_91 : vector<16xf32>
      %jit3A_267 = arith.constant 4096 : i32
      %jit3A_268 = arith.constant 0 : i32
      %broadcast_in_dim3A_269 = vector.broadcast %jit3A_267 : i32 to vector<16xi32>
      %broadcast_in_dim3A_270 = vector.broadcast %jit3A_268 : i32 to vector<16xi32>
      %select_n3A_271 = arith.select %gt3A_266, %broadcast_in_dim3A_269, %broadcast_in_dim3A_270 : vector<16xi1>, vector<16xi32>
      %add3A_272 = arith.addi %add3A_264, %select_n3A_271 : vector<16xi32>
      %gather3A_273 = tpu.vector_load_idx %arg10[%add3A_241, %gather3A_46] : memref<512x128xf32, #tpu.memory_space<vmem>>[vector<16xi32>, vector<16xi32>], vector<16xf32>,
      %gt3A_274 = arith.cmpf ogt, %gather3A_273, %gather3A_94 : vector<16xf32>
      %jit3A_275 = arith.constant 2048 : i32
      %jit3A_276 = arith.constant 0 : i32
      %broadcast_in_dim3A_277 = vector.broadcast %jit3A_275 : i32 to vector<16xi32>
      %broadcast_in_dim3A_278 = vector.broadcast %jit3A_276 : i32 to vector<16xi32>
      %select_n3A_279 = arith.select %gt3A_274, %broadcast_in_dim3A_277, %broadcast_in_dim3A_278 : vector<16xi1>, vector<16xi32>
      %add3A_280 = arith.addi %add3A_272, %select_n3A_279 : vector<16xi32>
      %gather3A_281 = tpu.vector_load_idx %arg10[%add3A_241, %gather3A_49] : memref<512x128xf32, #tpu.memory_space<vmem>>[vector<16xi32>, vector<16xi32>], vector<16xf32>,
      %gt3A_282 = arith.cmpf ogt, %gather3A_281, %gather3A_97 : vector<16xf32>
      %jit3A_283 = arith.constant 1024 : i32
      %jit3A_284 = arith.constant 0 : i32
      %broadcast_in_dim3A_285 = vector.broadcast %jit3A_283 : i32 to vector<16xi32>
      %broadcast_in_dim3A_286 = vector.broadcast %jit3A_284 : i32 to vector<16xi32>
      %select_n3A_287 = arith.select %gt3A_282, %broadcast_in_dim3A_285, %broadcast_in_dim3A_286 : vector<16xi1>, vector<16xi32>
      %add3A_288 = arith.addi %add3A_280, %select_n3A_287 : vector<16xi32>
      %gather3A_289 = tpu.vector_load_idx %arg10[%add3A_241, %gather3A_52] : memref<512x128xf32, #tpu.memory_space<vmem>>[vector<16xi32>, vector<16xi32>], vector<16xf32>,
      %gt3A_290 = arith.cmpf ogt, %gather3A_289, %gather3A_100 : vector<16xf32>
      %jit3A_291 = arith.constant 512 : i32
      %jit3A_292 = arith.constant 0 : i32
      %broadcast_in_dim3A_293 = vector.broadcast %jit3A_291 : i32 to vector<16xi32>
      %broadcast_in_dim3A_294 = vector.broadcast %jit3A_292 : i32 to vector<16xi32>
      %select_n3A_295 = arith.select %gt3A_290, %broadcast_in_dim3A_293, %broadcast_in_dim3A_294 : vector<16xi1>, vector<16xi32>
      %add3A_296 = arith.addi %add3A_288, %select_n3A_295 : vector<16xi32>
      %gather3A_297 = tpu.vector_load_idx %arg10[%add3A_241, %gather3A_55] : memref<512x128xf32, #tpu.memory_space<vmem>>[vector<16xi32>, vector<16xi32>], vector<16xf32>,
      %gt3A_298 = arith.cmpf ogt, %gather3A_297, %gather3A_103 : vector<16xf32>
      %jit3A_299 = arith.constant 256 : i32
      %jit3A_300 = arith.constant 0 : i32
      %broadcast_in_dim3A_301 = vector.broadcast %jit3A_299 : i32 to vector<16xi32>
      %broadcast_in_dim3A_302 = vector.broadcast %jit3A_300 : i32 to vector<16xi32>
      %select_n3A_303 = arith.select %gt3A_298, %broadcast_in_dim3A_301, %broadcast_in_dim3A_302 : vector<16xi1>, vector<16xi32>
      %add3A_304 = arith.addi %add3A_296, %select_n3A_303 : vector<16xi32>
      %gather3A_305 = tpu.vector_load_idx %arg10[%add3A_241, %gather3A_58] : memref<512x128xf32, #tpu.memory_space<vmem>>[vector<16xi32>, vector<16xi32>], vector<16xf32>,
      %gt3A_306 = arith.cmpf ogt, %gather3A_305, %gather3A_106 : vector<16xf32>
      %jit3A_307 = arith.constant 128 : i32
      %jit3A_308 = arith.constant 0 : i32
      %broadcast_in_dim3A_309 = vector.broadcast %jit3A_307 : i32 to vector<16xi32>
      %broadcast_in_dim3A_310 = vector.broadcast %jit3A_308 : i32 to vector<16xi32>
      %select_n3A_311 = arith.select %gt3A_306, %broadcast_in_dim3A_309, %broadcast_in_dim3A_310 : vector<16xi1>, vector<16xi32>
      %add3A_312 = arith.addi %add3A_304, %select_n3A_311 : vector<16xi32>
      %gather3A_313 = tpu.vector_load_idx %arg10[%add3A_241, %gather3A_61] : memref<512x128xf32, #tpu.memory_space<vmem>>[vector<16xi32>, vector<16xi32>], vector<16xf32>,
      %gt3A_314 = arith.cmpf ogt, %gather3A_313, %gather3A_109 : vector<16xf32>
      %jit3A_315 = arith.constant 64 : i32
      %jit3A_316 = arith.constant 0 : i32
      %broadcast_in_dim3A_317 = vector.broadcast %jit3A_315 : i32 to vector<16xi32>
      %broadcast_in_dim3A_318 = vector.broadcast %jit3A_316 : i32 to vector<16xi32>
      %select_n3A_319 = arith.select %gt3A_314, %broadcast_in_dim3A_317, %broadcast_in_dim3A_318 : vector<16xi1>, vector<16xi32>
      %add3A_320 = arith.addi %add3A_312, %select_n3A_319 : vector<16xi32>
      %gather3A_321 = tpu.vector_load_idx %arg10[%add3A_241, %gather3A_64] : memref<512x128xf32, #tpu.memory_space<vmem>>[vector<16xi32>, vector<16xi32>], vector<16xf32>,
      %gt3A_322 = arith.cmpf ogt, %gather3A_321, %gather3A_112 : vector<16xf32>
      %jit3A_323 = arith.constant 32 : i32
      %jit3A_324 = arith.constant 0 : i32
      %broadcast_in_dim3A_325 = vector.broadcast %jit3A_323 : i32 to vector<16xi32>
      %broadcast_in_dim3A_326 = vector.broadcast %jit3A_324 : i32 to vector<16xi32>
      %select_n3A_327 = arith.select %gt3A_322, %broadcast_in_dim3A_325, %broadcast_in_dim3A_326 : vector<16xi1>, vector<16xi32>
      %add3A_328 = arith.addi %add3A_320, %select_n3A_327 : vector<16xi32>
      %gather3A_329 = tpu.vector_load_idx %arg10[%add3A_241, %gather3A_67] : memref<512x128xf32, #tpu.memory_space<vmem>>[vector<16xi32>, vector<16xi32>], vector<16xf32>,
      %gt3A_330 = arith.cmpf ogt, %gather3A_329, %gather3A_115 : vector<16xf32>
      %jit3A_331 = arith.constant 16 : i32
      %jit3A_332 = arith.constant 0 : i32
      %broadcast_in_dim3A_333 = vector.broadcast %jit3A_331 : i32 to vector<16xi32>
      %broadcast_in_dim3A_334 = vector.broadcast %jit3A_332 : i32 to vector<16xi32>
      %select_n3A_335 = arith.select %gt3A_330, %broadcast_in_dim3A_333, %broadcast_in_dim3A_334 : vector<16xi1>, vector<16xi32>
      %add3A_336 = arith.addi %add3A_328, %select_n3A_335 : vector<16xi32>
      %gather3A_337 = tpu.vector_load_idx %arg10[%add3A_241, %gather3A_70] : memref<512x128xf32, #tpu.memory_space<vmem>>[vector<16xi32>, vector<16xi32>], vector<16xf32>,
      %gt3A_338 = arith.cmpf ogt, %gather3A_337, %gather3A_118 : vector<16xf32>
      %jit3A_339 = arith.constant 8 : i32
      %jit3A_340 = arith.constant 0 : i32
      %broadcast_in_dim3A_341 = vector.broadcast %jit3A_339 : i32 to vector<16xi32>
      %broadcast_in_dim3A_342 = vector.broadcast %jit3A_340 : i32 to vector<16xi32>
      %select_n3A_343 = arith.select %gt3A_338, %broadcast_in_dim3A_341, %broadcast_in_dim3A_342 : vector<16xi1>, vector<16xi32>
      %add3A_344 = arith.addi %add3A_336, %select_n3A_343 : vector<16xi32>
      %gather3A_345 = tpu.vector_load_idx %arg10[%add3A_241, %gather3A_73] : memref<512x128xf32, #tpu.memory_space<vmem>>[vector<16xi32>, vector<16xi32>], vector<16xf32>,
      %gt3A_346 = arith.cmpf ogt, %gather3A_345, %gather3A_121 : vector<16xf32>
      %jit3A_347 = arith.constant 4 : i32
      %jit3A_348 = arith.constant 0 : i32
      %broadcast_in_dim3A_349 = vector.broadcast %jit3A_347 : i32 to vector<16xi32>
      %broadcast_in_dim3A_350 = vector.broadcast %jit3A_348 : i32 to vector<16xi32>
      %select_n3A_351 = arith.select %gt3A_346, %broadcast_in_dim3A_349, %broadcast_in_dim3A_350 : vector<16xi1>, vector<16xi32>
      %add3A_352 = arith.addi %add3A_344, %select_n3A_351 : vector<16xi32>
      %gather3A_353 = tpu.vector_load_idx %arg10[%add3A_241, %gather3A_76] : memref<512x128xf32, #tpu.memory_space<vmem>>[vector<16xi32>, vector<16xi32>], vector<16xf32>,
      %gt3A_354 = arith.cmpf ogt, %gather3A_353, %gather3A_124 : vector<16xf32>
      %jit3A_355 = arith.constant 2 : i32
      %jit3A_356 = arith.constant 0 : i32
      %broadcast_in_dim3A_357 = vector.broadcast %jit3A_355 : i32 to vector<16xi32>
      %broadcast_in_dim3A_358 = vector.broadcast %jit3A_356 : i32 to vector<16xi32>
      %select_n3A_359 = arith.select %gt3A_354, %broadcast_in_dim3A_357, %broadcast_in_dim3A_358 : vector<16xi1>, vector<16xi32>
      %add3A_360 = arith.addi %add3A_352, %select_n3A_359 : vector<16xi32>
      %gather3A_361 = tpu.vector_load_idx %arg10[%add3A_241, %gather3A_79] : memref<512x128xf32, #tpu.memory_space<vmem>>[vector<16xi32>, vector<16xi32>], vector<16xf32>,
      %gt3A_362 = arith.cmpf ogt, %gather3A_361, %gather3A_127 : vector<16xf32>
      %jit3A_363 = arith.constant 1 : i32
      %jit3A_364 = arith.constant 0 : i32
      %broadcast_in_dim3A_365 = vector.broadcast %jit3A_363 : i32 to vector<16xi32>
      %broadcast_in_dim3A_366 = vector.broadcast %jit3A_364 : i32 to vector<16xi32>
      %select_n3A_367 = arith.select %gt3A_362, %broadcast_in_dim3A_365, %broadcast_in_dim3A_366 : vector<16xi1>, vector<16xi32>
      %add3A_368 = arith.addi %add3A_360, %select_n3A_367 : vector<16xi32>
      %mul3A_369 = arith.constant 16 : i32
      %mul3A_370 = arith.muli %scan3A_235, %mul3A_369 : i32
      %swap3A_371 = arith.index_cast %mul3A_370 : i32 to index
      %swap3A_372 = tpu.vector_load %arg12[%swap3A_371] {strides = array<i32>} : memref<128xi32, #tpu.memory_space<vmem>>, vector<16xi32>,
      tpu.vector_store %arg12[%swap3A_371], %add3A_368 {strides = array<i32>} : memref<128xi32, #tpu.memory_space<vmem>>, vector<16xi32>,
    }
    %scan3A_151 = arith.constant 8 : i32
    %dma_start3A_152 = arith.constant 0 : i32
    %dma_start3A_153 = arith.constant 0 : i32
    %dma_start3A_154 = tpu.memref_slice %arg5[%dma_start3A_152, %dma_start3A_153] : memref<65536x128xf32, #tpu.memory_space<hbm>> -> memref<65536x128xf32, #tpu.memory_space<hbm>>
    tpu.enqueue_indirect_dma source(%dma_start3A_154 : memref<65536x128xf32, #tpu.memory_space<hbm>>) target(%arg14 : memref<128x128xf32, #tpu.memory_space<vmem>>) offsets(%arg12 : memref<128xi32, #tpu.memory_space<vmem>>) semaphore(%arg18 : memref<!tpu.dma_semaphore, #tpu.memory_space<semaphore_mem>>)
    %dma_wait3A_155 = arith.constant 0 : i32
    %dma_wait3A_156 = arith.constant 0 : i32
    %dma_wait3A_157 = tpu.memref_slice %arg5[%dma_wait3A_155, %dma_wait3A_156] : memref<65536x128xf32, #tpu.memory_space<hbm>> -> memref<65536x128xf32, #tpu.memory_space<hbm>>
    tpu.wait_indirect_dma semaphore(%arg17 : memref<!tpu.dma_semaphore, #tpu.memory_space<semaphore_mem>>) src(%dma_wait3A_157 : memref<65536x128xf32, #tpu.memory_space<hbm>>) dst(%arg13 : memref<128x128xf32, #tpu.memory_space<vmem>>)
    %add3A_158 = arith.constant 0 : i32
    %add3A_159 = arith.addi %mul3A_2, %add3A_158 : i32
    %dma_start3A_160 = arith.constant 0 : i32
    %dma_start3A_161 = tpu.memref_slice %arg6[%add3A_159, %dma_start3A_160] : memref<16384x128xf32, #tpu.memory_space<hbm>> -> memref<128x128xf32, #tpu.memory_space<hbm>>
    %dma_start3A_162 = arith.constant 0 : i32
    %dma_start3A_163 = tpu.memref_slice %arg6[%add3A_159, %dma_start3A_162] : memref<16384x128xf32, #tpu.memory_space<hbm>> -> memref<128x128xf32, #tpu.memory_space<hbm>>
    tpu.enqueue_dma source(%arg13 : memref<128x128xf32, #tpu.memory_space<vmem>>) target(%dma_start3A_163 : memref<128x128xf32, #tpu.memory_space<hbm>>) target_semaphore(%arg19 : memref<!tpu.dma_semaphore, #tpu.memory_space<semaphore_mem>>)
    %dma_wait3A_164 = arith.constant 256 : i32
    %dma_wait3A_165 = arith.constant 0 : i32
    %dma_wait3A_166 = tpu.memref_slice %arg10[%dma_wait3A_164, %dma_wait3A_165] : memref<512x128xf32, #tpu.memory_space<vmem>> -> memref<256x128xf32, #tpu.memory_space<vmem>>
    %dma_wait3A_167 = arith.constant 0 : i32
    %dma_wait3A_168 = tpu.memref_slice %arg2[%add3A_13, %dma_wait3A_167] : memref<16384x128xf32, #tpu.memory_space<hbm>> -> memref<256x128xf32, #tpu.memory_space<hbm>>
    %dma_wait3A_169 = arith.constant 256 : i32
    %dma_wait3A_170 = arith.constant 0 : i32
    %dma_wait3A_171 = tpu.memref_slice %arg10[%dma_wait3A_169, %dma_wait3A_170] : memref<512x128xf32, #tpu.memory_space<vmem>> -> memref<256x128xf32, #tpu.memory_space<vmem>>
    %dma_wait3A_172 = arith.constant 0 : i32
    %dma_wait3A_173 = tpu.memref_slice %arg2[%add3A_13, %dma_wait3A_172] : memref<16384x128xf32, #tpu.memory_space<hbm>> -> memref<256x128xf32, #tpu.memory_space<hbm>>
    tpu.wait_dma2 semaphore(%arg16 : memref<!tpu.dma_semaphore, #tpu.memory_space<semaphore_mem>>) src(%dma_wait3A_173 : memref<256x128xf32, #tpu.memory_space<hbm>>) dst(%dma_wait3A_171 : memref<256x128xf32, #tpu.memory_space<vmem>>)
    %scan3A_174 = arith.constant 0 : i32
    %scan3A_175 = arith.constant 0 : i32
    %scan3A_176 = arith.constant 8 : i32
    %scan3A_177 = arith.addi %scan3A_175, %scan3A_176 : i32
    %scan3A_178 = arith.constant 1 : i32
    scf.for %scan3A_235 = %scan3A_175 to %scan3A_177 step %scan3A_178  : i32 {
      %mul3A_236 = arith.constant 16 : i32
      %mul3A_237 = arith.muli %scan3A_235, %mul3A_236 : i32
      %add3A_238 = arith.constant 256 : i32
      %add3A_239 = arith.addi %add3A_238, %mul3A_237 : i32
      %add3A_240 = vector.broadcast %add3A_239 : i32 to vector<16xi32>
      %add3A_241 = arith.addi %iota3A, %add3A_240 : vector<16xi32>
      %broadcast_in_dim3A_242 = arith.constant 0 : i32
      %broadcast_in_dim3A_243 = vector.broadcast %broadcast_in_dim3A_242 : i32 to vector<16xi32>
      %gather3A_244 = tpu.vector_load_idx %arg10[%add3A_241, %gather3A] : memref<512x128xf32, #tpu.memory_space<vmem>>[vector<16xi32>, vector<16xi32>], vector<16xf32>,
      %gt3A = arith.cmpf ogt, %gather3A_244, %gather3A_82 : vector<16xf32>
      %jit3A = arith.constant 32768 : i32
      %jit3A_245 = arith.constant 0 : i32
      %broadcast_in_dim3A_246 = vector.broadcast %jit3A : i32 to vector<16xi32>
      %broadcast_in_dim3A_247 = vector.broadcast %jit3A_245 : i32 to vector<16xi32>
      %select_n3A = arith.select %gt3A, %broadcast_in_dim3A_246, %broadcast_in_dim3A_247 : vector<16xi1>, vector<16xi32>
      %add3A_248 = arith.addi %broadcast_in_dim3A_243, %select_n3A : vector<16xi32>
      %gather3A_249 = tpu.vector_load_idx %arg10[%add3A_241, %gather3A_37] : memref<512x128xf32, #tpu.memory_space<vmem>>[vector<16xi32>, vector<16xi32>], vector<16xf32>,
      %gt3A_250 = arith.cmpf ogt, %gather3A_249, %gather3A_85 : vector<16xf32>
      %jit3A_251 = arith.constant 16384 : i32
      %jit3A_252 = arith.constant 0 : i32
      %broadcast_in_dim3A_253 = vector.broadcast %jit3A_251 : i32 to vector<16xi32>
      %broadcast_in_dim3A_254 = vector.broadcast %jit3A_252 : i32 to vector<16xi32>
      %select_n3A_255 = arith.select %gt3A_250, %broadcast_in_dim3A_253, %broadcast_in_dim3A_254 : vector<16xi1>, vector<16xi32>
      %add3A_256 = arith.addi %add3A_248, %select_n3A_255 : vector<16xi32>
      %gather3A_257 = tpu.vector_load_idx %arg10[%add3A_241, %gather3A_40] : memref<512x128xf32, #tpu.memory_space<vmem>>[vector<16xi32>, vector<16xi32>], vector<16xf32>,
      %gt3A_258 = arith.cmpf ogt, %gather3A_257, %gather3A_88 : vector<16xf32>
      %jit3A_259 = arith.constant 8192 : i32
      %jit3A_260 = arith.constant 0 : i32
      %broadcast_in_dim3A_261 = vector.broadcast %jit3A_259 : i32 to vector<16xi32>
      %broadcast_in_dim3A_262 = vector.broadcast %jit3A_260 : i32 to vector<16xi32>
      %select_n3A_263 = arith.select %gt3A_258, %broadcast_in_dim3A_261, %broadcast_in_dim3A_262 : vector<16xi1>, vector<16xi32>
      %add3A_264 = arith.addi %add3A_256, %select_n3A_263 : vector<16xi32>
      %gather3A_265 = tpu.vector_load_idx %arg10[%add3A_241, %gather3A_43] : memref<512x128xf32, #tpu.memory_space<vmem>>[vector<16xi32>, vector<16xi32>], vector<16xf32>,
      %gt3A_266 = arith.cmpf ogt, %gather3A_265, %gather3A_91 : vector<16xf32>
      %jit3A_267 = arith.constant 4096 : i32
      %jit3A_268 = arith.constant 0 : i32
      %broadcast_in_dim3A_269 = vector.broadcast %jit3A_267 : i32 to vector<16xi32>
      %broadcast_in_dim3A_270 = vector.broadcast %jit3A_268 : i32 to vector<16xi32>
      %select_n3A_271 = arith.select %gt3A_266, %broadcast_in_dim3A_269, %broadcast_in_dim3A_270 : vector<16xi1>, vector<16xi32>
      %add3A_272 = arith.addi %add3A_264, %select_n3A_271 : vector<16xi32>
      %gather3A_273 = tpu.vector_load_idx %arg10[%add3A_241, %gather3A_46] : memref<512x128xf32, #tpu.memory_space<vmem>>[vector<16xi32>, vector<16xi32>], vector<16xf32>,
      %gt3A_274 = arith.cmpf ogt, %gather3A_273, %gather3A_94 : vector<16xf32>
      %jit3A_275 = arith.constant 2048 : i32
      %jit3A_276 = arith.constant 0 : i32
      %broadcast_in_dim3A_277 = vector.broadcast %jit3A_275 : i32 to vector<16xi32>
      %broadcast_in_dim3A_278 = vector.broadcast %jit3A_276 : i32 to vector<16xi32>
      %select_n3A_279 = arith.select %gt3A_274, %broadcast_in_dim3A_277, %broadcast_in_dim3A_278 : vector<16xi1>, vector<16xi32>
      %add3A_280 = arith.addi %add3A_272, %select_n3A_279 : vector<16xi32>
      %gather3A_281 = tpu.vector_load_idx %arg10[%add3A_241, %gather3A_49] : memref<512x128xf32, #tpu.memory_space<vmem>>[vector<16xi32>, vector<16xi32>], vector<16xf32>,
      %gt3A_282 = arith.cmpf ogt, %gather3A_281, %gather3A_97 : vector<16xf32>
      %jit3A_283 = arith.constant 1024 : i32
      %jit3A_284 = arith.constant 0 : i32
      %broadcast_in_dim3A_285 = vector.broadcast %jit3A_283 : i32 to vector<16xi32>
      %broadcast_in_dim3A_286 = vector.broadcast %jit3A_284 : i32 to vector<16xi32>
      %select_n3A_287 = arith.select %gt3A_282, %broadcast_in_dim3A_285, %broadcast_in_dim3A_286 : vector<16xi1>, vector<16xi32>
      %add3A_288 = arith.addi %add3A_280, %select_n3A_287 : vector<16xi32>
      %gather3A_289 = tpu.vector_load_idx %arg10[%add3A_241, %gather3A_52] : memref<512x128xf32, #tpu.memory_space<vmem>>[vector<16xi32>, vector<16xi32>], vector<16xf32>,
      %gt3A_290 = arith.cmpf ogt, %gather3A_289, %gather3A_100 : vector<16xf32>
      %jit3A_291 = arith.constant 512 : i32
      %jit3A_292 = arith.constant 0 : i32
      %broadcast_in_dim3A_293 = vector.broadcast %jit3A_291 : i32 to vector<16xi32>
      %broadcast_in_dim3A_294 = vector.broadcast %jit3A_292 : i32 to vector<16xi32>
      %select_n3A_295 = arith.select %gt3A_290, %broadcast_in_dim3A_293, %broadcast_in_dim3A_294 : vector<16xi1>, vector<16xi32>
      %add3A_296 = arith.addi %add3A_288, %select_n3A_295 : vector<16xi32>
      %gather3A_297 = tpu.vector_load_idx %arg10[%add3A_241, %gather3A_55] : memref<512x128xf32, #tpu.memory_space<vmem>>[vector<16xi32>, vector<16xi32>], vector<16xf32>,
      %gt3A_298 = arith.cmpf ogt, %gather3A_297, %gather3A_103 : vector<16xf32>
      %jit3A_299 = arith.constant 256 : i32
      %jit3A_300 = arith.constant 0 : i32
      %broadcast_in_dim3A_301 = vector.broadcast %jit3A_299 : i32 to vector<16xi32>
      %broadcast_in_dim3A_302 = vector.broadcast %jit3A_300 : i32 to vector<16xi32>
      %select_n3A_303 = arith.select %gt3A_298, %broadcast_in_dim3A_301, %broadcast_in_dim3A_302 : vector<16xi1>, vector<16xi32>
      %add3A_304 = arith.addi %add3A_296, %select_n3A_303 : vector<16xi32>
      %gather3A_305 = tpu.vector_load_idx %arg10[%add3A_241, %gather3A_58] : memref<512x128xf32, #tpu.memory_space<vmem>>[vector<16xi32>, vector<16xi32>], vector<16xf32>,
      %gt3A_306 = arith.cmpf ogt, %gather3A_305, %gather3A_106 : vector<16xf32>
      %jit3A_307 = arith.constant 128 : i32
      %jit3A_308 = arith.constant 0 : i32
      %broadcast_in_dim3A_309 = vector.broadcast %jit3A_307 : i32 to vector<16xi32>
      %broadcast_in_dim3A_310 = vector.broadcast %jit3A_308 : i32 to vector<16xi32>
      %select_n3A_311 = arith.select %gt3A_306, %broadcast_in_dim3A_309, %broadcast_in_dim3A_310 : vector<16xi1>, vector<16xi32>
      %add3A_312 = arith.addi %add3A_304, %select_n3A_311 : vector<16xi32>
      %gather3A_313 = tpu.vector_load_idx %arg10[%add3A_241, %gather3A_61] : memref<512x128xf32, #tpu.memory_space<vmem>>[vector<16xi32>, vector<16xi32>], vector<16xf32>,
      %gt3A_314 = arith.cmpf ogt, %gather3A_313, %gather3A_109 : vector<16xf32>
      %jit3A_315 = arith.constant 64 : i32
      %jit3A_316 = arith.constant 0 : i32
      %broadcast_in_dim3A_317 = vector.broadcast %jit3A_315 : i32 to vector<16xi32>
      %broadcast_in_dim3A_318 = vector.broadcast %jit3A_316 : i32 to vector<16xi32>
      %select_n3A_319 = arith.select %gt3A_314, %broadcast_in_dim3A_317, %broadcast_in_dim3A_318 : vector<16xi1>, vector<16xi32>
      %add3A_320 = arith.addi %add3A_312, %select_n3A_319 : vector<16xi32>
      %gather3A_321 = tpu.vector_load_idx %arg10[%add3A_241, %gather3A_64] : memref<512x128xf32, #tpu.memory_space<vmem>>[vector<16xi32>, vector<16xi32>], vector<16xf32>,
      %gt3A_322 = arith.cmpf ogt, %gather3A_321, %gather3A_112 : vector<16xf32>
      %jit3A_323 = arith.constant 32 : i32
      %jit3A_324 = arith.constant 0 : i32
      %broadcast_in_dim3A_325 = vector.broadcast %jit3A_323 : i32 to vector<16xi32>
      %broadcast_in_dim3A_326 = vector.broadcast %jit3A_324 : i32 to vector<16xi32>
      %select_n3A_327 = arith.select %gt3A_322, %broadcast_in_dim3A_325, %broadcast_in_dim3A_326 : vector<16xi1>, vector<16xi32>
      %add3A_328 = arith.addi %add3A_320, %select_n3A_327 : vector<16xi32>
      %gather3A_329 = tpu.vector_load_idx %arg10[%add3A_241, %gather3A_67] : memref<512x128xf32, #tpu.memory_space<vmem>>[vector<16xi32>, vector<16xi32>], vector<16xf32>,
      %gt3A_330 = arith.cmpf ogt, %gather3A_329, %gather3A_115 : vector<16xf32>
      %jit3A_331 = arith.constant 16 : i32
      %jit3A_332 = arith.constant 0 : i32
      %broadcast_in_dim3A_333 = vector.broadcast %jit3A_331 : i32 to vector<16xi32>
      %broadcast_in_dim3A_334 = vector.broadcast %jit3A_332 : i32 to vector<16xi32>
      %select_n3A_335 = arith.select %gt3A_330, %broadcast_in_dim3A_333, %broadcast_in_dim3A_334 : vector<16xi1>, vector<16xi32>
      %add3A_336 = arith.addi %add3A_328, %select_n3A_335 : vector<16xi32>
      %gather3A_337 = tpu.vector_load_idx %arg10[%add3A_241, %gather3A_70] : memref<512x128xf32, #tpu.memory_space<vmem>>[vector<16xi32>, vector<16xi32>], vector<16xf32>,
      %gt3A_338 = arith.cmpf ogt, %gather3A_337, %gather3A_118 : vector<16xf32>
      %jit3A_339 = arith.constant 8 : i32
      %jit3A_340 = arith.constant 0 : i32
      %broadcast_in_dim3A_341 = vector.broadcast %jit3A_339 : i32 to vector<16xi32>
      %broadcast_in_dim3A_342 = vector.broadcast %jit3A_340 : i32 to vector<16xi32>
      %select_n3A_343 = arith.select %gt3A_338, %broadcast_in_dim3A_341, %broadcast_in_dim3A_342 : vector<16xi1>, vector<16xi32>
      %add3A_344 = arith.addi %add3A_336, %select_n3A_343 : vector<16xi32>
      %gather3A_345 = tpu.vector_load_idx %arg10[%add3A_241, %gather3A_73] : memref<512x128xf32, #tpu.memory_space<vmem>>[vector<16xi32>, vector<16xi32>], vector<16xf32>,
      %gt3A_346 = arith.cmpf ogt, %gather3A_345, %gather3A_121 : vector<16xf32>
      %jit3A_347 = arith.constant 4 : i32
      %jit3A_348 = arith.constant 0 : i32
      %broadcast_in_dim3A_349 = vector.broadcast %jit3A_347 : i32 to vector<16xi32>
      %broadcast_in_dim3A_350 = vector.broadcast %jit3A_348 : i32 to vector<16xi32>
      %select_n3A_351 = arith.select %gt3A_346, %broadcast_in_dim3A_349, %broadcast_in_dim3A_350 : vector<16xi1>, vector<16xi32>
      %add3A_352 = arith.addi %add3A_344, %select_n3A_351 : vector<16xi32>
      %gather3A_353 = tpu.vector_load_idx %arg10[%add3A_241, %gather3A_76] : memref<512x128xf32, #tpu.memory_space<vmem>>[vector<16xi32>, vector<16xi32>], vector<16xf32>,
      %gt3A_354 = arith.cmpf ogt, %gather3A_353, %gather3A_124 : vector<16xf32>
      %jit3A_355 = arith.constant 2 : i32
      %jit3A_356 = arith.constant 0 : i32
      %broadcast_in_dim3A_357 = vector.broadcast %jit3A_355 : i32 to vector<16xi32>
      %broadcast_in_dim3A_358 = vector.broadcast %jit3A_356 : i32 to vector<16xi32>
      %select_n3A_359 = arith.select %gt3A_354, %broadcast_in_dim3A_357, %broadcast_in_dim3A_358 : vector<16xi1>, vector<16xi32>
      %add3A_360 = arith.addi %add3A_352, %select_n3A_359 : vector<16xi32>
      %gather3A_361 = tpu.vector_load_idx %arg10[%add3A_241, %gather3A_79] : memref<512x128xf32, #tpu.memory_space<vmem>>[vector<16xi32>, vector<16xi32>], vector<16xf32>,
      %gt3A_362 = arith.cmpf ogt, %gather3A_361, %gather3A_127 : vector<16xf32>
      %jit3A_363 = arith.constant 1 : i32
      %jit3A_364 = arith.constant 0 : i32
      %broadcast_in_dim3A_365 = vector.broadcast %jit3A_363 : i32 to vector<16xi32>
      %broadcast_in_dim3A_366 = vector.broadcast %jit3A_364 : i32 to vector<16xi32>
      %select_n3A_367 = arith.select %gt3A_362, %broadcast_in_dim3A_365, %broadcast_in_dim3A_366 : vector<16xi1>, vector<16xi32>
      %add3A_368 = arith.addi %add3A_360, %select_n3A_367 : vector<16xi32>
      %mul3A_369 = arith.constant 16 : i32
      %mul3A_370 = arith.muli %scan3A_235, %mul3A_369 : i32
      %swap3A_371 = arith.index_cast %mul3A_370 : i32 to index
      %swap3A_372 = tpu.vector_load %arg11[%swap3A_371] {strides = array<i32>} : memref<128xi32, #tpu.memory_space<vmem>>, vector<16xi32>,
      tpu.vector_store %arg11[%swap3A_371], %add3A_368 {strides = array<i32>} : memref<128xi32, #tpu.memory_space<vmem>>, vector<16xi32>,
    }
    %scan3A_179 = arith.constant 8 : i32
    %dma_wait3A_180 = arith.constant 0 : i32
    %dma_wait3A_181 = tpu.memref_slice %arg6[%add3A_159, %dma_wait3A_180] : memref<16384x128xf32, #tpu.memory_space<hbm>> -> memref<128x128xf32, #tpu.memory_space<hbm>>
    %dma_wait3A_182 = arith.constant 0 : i32
    %dma_wait3A_183 = tpu.memref_slice %arg6[%add3A_159, %dma_wait3A_182] : memref<16384x128xf32, #tpu.memory_space<hbm>> -> memref<128x128xf32, #tpu.memory_space<hbm>>
    tpu.wait_dma2 semaphore(%arg19 : memref<!tpu.dma_semaphore, #tpu.memory_space<semaphore_mem>>) src(%arg13 : memref<128x128xf32, #tpu.memory_space<vmem>>) dst(%dma_wait3A_183 : memref<128x128xf32, #tpu.memory_space<hbm>>)
    %dma_start3A_184 = arith.constant 0 : i32
    %dma_start3A_185 = arith.constant 0 : i32
    %dma_start3A_186 = tpu.memref_slice %arg5[%dma_start3A_184, %dma_start3A_185] : memref<65536x128xf32, #tpu.memory_space<hbm>> -> memref<65536x128xf32, #tpu.memory_space<hbm>>
    tpu.enqueue_indirect_dma source(%dma_start3A_186 : memref<65536x128xf32, #tpu.memory_space<hbm>>) target(%arg13 : memref<128x128xf32, #tpu.memory_space<vmem>>) offsets(%arg11 : memref<128xi32, #tpu.memory_space<vmem>>) semaphore(%arg17 : memref<!tpu.dma_semaphore, #tpu.memory_space<semaphore_mem>>)
    %dma_wait3A_187 = arith.constant 0 : i32
    %dma_wait3A_188 = arith.constant 0 : i32
    %dma_wait3A_189 = tpu.memref_slice %arg5[%dma_wait3A_187, %dma_wait3A_188] : memref<65536x128xf32, #tpu.memory_space<hbm>> -> memref<65536x128xf32, #tpu.memory_space<hbm>>
    tpu.wait_indirect_dma semaphore(%arg18 : memref<!tpu.dma_semaphore, #tpu.memory_space<semaphore_mem>>) src(%dma_wait3A_189 : memref<65536x128xf32, #tpu.memory_space<hbm>>) dst(%arg14 : memref<128x128xf32, #tpu.memory_space<vmem>>)
    %add3A_190 = arith.constant 128 : i32
    %add3A_191 = arith.addi %mul3A_2, %add3A_190 : i32
    %dma_start3A_192 = arith.constant 0 : i32
    %dma_start3A_193 = tpu.memref_slice %arg6[%add3A_191, %dma_start3A_192] : memref<16384x128xf32, #tpu.memory_space<hbm>> -> memref<128x128xf32, #tpu.memory_space<hbm>>
    %dma_start3A_194 = arith.constant 0 : i32
    %dma_start3A_195 = tpu.memref_slice %arg6[%add3A_191, %dma_start3A_194] : memref<16384x128xf32, #tpu.memory_space<hbm>> -> memref<128x128xf32, #tpu.memory_space<hbm>>
    tpu.enqueue_dma source(%arg14 : memref<128x128xf32, #tpu.memory_space<vmem>>) target(%dma_start3A_195 : memref<128x128xf32, #tpu.memory_space<hbm>>) target_semaphore(%arg20 : memref<!tpu.dma_semaphore, #tpu.memory_space<semaphore_mem>>)
    %scan3A_196 = arith.constant 0 : i32
    %scan3A_197 = arith.constant 0 : i32
    %scan3A_198 = arith.constant 8 : i32
    %scan3A_199 = arith.addi %scan3A_197, %scan3A_198 : i32
    %scan3A_200 = arith.constant 1 : i32
    scf.for %scan3A_235 = %scan3A_197 to %scan3A_199 step %scan3A_200  : i32 {
      %mul3A_236 = arith.constant 16 : i32
      %mul3A_237 = arith.muli %scan3A_235, %mul3A_236 : i32
      %add3A_238 = arith.constant 384 : i32
      %add3A_239 = arith.addi %add3A_238, %mul3A_237 : i32
      %add3A_240 = vector.broadcast %add3A_239 : i32 to vector<16xi32>
      %add3A_241 = arith.addi %iota3A, %add3A_240 : vector<16xi32>
      %broadcast_in_dim3A_242 = arith.constant 0 : i32
      %broadcast_in_dim3A_243 = vector.broadcast %broadcast_in_dim3A_242 : i32 to vector<16xi32>
      %gather3A_244 = tpu.vector_load_idx %arg10[%add3A_241, %gather3A] : memref<512x128xf32, #tpu.memory_space<vmem>>[vector<16xi32>, vector<16xi32>], vector<16xf32>,
      %gt3A = arith.cmpf ogt, %gather3A_244, %gather3A_82 : vector<16xf32>
      %jit3A = arith.constant 32768 : i32
      %jit3A_245 = arith.constant 0 : i32
      %broadcast_in_dim3A_246 = vector.broadcast %jit3A : i32 to vector<16xi32>
      %broadcast_in_dim3A_247 = vector.broadcast %jit3A_245 : i32 to vector<16xi32>
      %select_n3A = arith.select %gt3A, %broadcast_in_dim3A_246, %broadcast_in_dim3A_247 : vector<16xi1>, vector<16xi32>
      %add3A_248 = arith.addi %broadcast_in_dim3A_243, %select_n3A : vector<16xi32>
      %gather3A_249 = tpu.vector_load_idx %arg10[%add3A_241, %gather3A_37] : memref<512x128xf32, #tpu.memory_space<vmem>>[vector<16xi32>, vector<16xi32>], vector<16xf32>,
      %gt3A_250 = arith.cmpf ogt, %gather3A_249, %gather3A_85 : vector<16xf32>
      %jit3A_251 = arith.constant 16384 : i32
      %jit3A_252 = arith.constant 0 : i32
      %broadcast_in_dim3A_253 = vector.broadcast %jit3A_251 : i32 to vector<16xi32>
      %broadcast_in_dim3A_254 = vector.broadcast %jit3A_252 : i32 to vector<16xi32>
      %select_n3A_255 = arith.select %gt3A_250, %broadcast_in_dim3A_253, %broadcast_in_dim3A_254 : vector<16xi1>, vector<16xi32>
      %add3A_256 = arith.addi %add3A_248, %select_n3A_255 : vector<16xi32>
      %gather3A_257 = tpu.vector_load_idx %arg10[%add3A_241, %gather3A_40] : memref<512x128xf32, #tpu.memory_space<vmem>>[vector<16xi32>, vector<16xi32>], vector<16xf32>,
      %gt3A_258 = arith.cmpf ogt, %gather3A_257, %gather3A_88 : vector<16xf32>
      %jit3A_259 = arith.constant 8192 : i32
      %jit3A_260 = arith.constant 0 : i32
      %broadcast_in_dim3A_261 = vector.broadcast %jit3A_259 : i32 to vector<16xi32>
      %broadcast_in_dim3A_262 = vector.broadcast %jit3A_260 : i32 to vector<16xi32>
      %select_n3A_263 = arith.select %gt3A_258, %broadcast_in_dim3A_261, %broadcast_in_dim3A_262 : vector<16xi1>, vector<16xi32>
      %add3A_264 = arith.addi %add3A_256, %select_n3A_263 : vector<16xi32>
      %gather3A_265 = tpu.vector_load_idx %arg10[%add3A_241, %gather3A_43] : memref<512x128xf32, #tpu.memory_space<vmem>>[vector<16xi32>, vector<16xi32>], vector<16xf32>,
      %gt3A_266 = arith.cmpf ogt, %gather3A_265, %gather3A_91 : vector<16xf32>
      %jit3A_267 = arith.constant 4096 : i32
      %jit3A_268 = arith.constant 0 : i32
      %broadcast_in_dim3A_269 = vector.broadcast %jit3A_267 : i32 to vector<16xi32>
      %broadcast_in_dim3A_270 = vector.broadcast %jit3A_268 : i32 to vector<16xi32>
      %select_n3A_271 = arith.select %gt3A_266, %broadcast_in_dim3A_269, %broadcast_in_dim3A_270 : vector<16xi1>, vector<16xi32>
      %add3A_272 = arith.addi %add3A_264, %select_n3A_271 : vector<16xi32>
      %gather3A_273 = tpu.vector_load_idx %arg10[%add3A_241, %gather3A_46] : memref<512x128xf32, #tpu.memory_space<vmem>>[vector<16xi32>, vector<16xi32>], vector<16xf32>,
      %gt3A_274 = arith.cmpf ogt, %gather3A_273, %gather3A_94 : vector<16xf32>
      %jit3A_275 = arith.constant 2048 : i32
      %jit3A_276 = arith.constant 0 : i32
      %broadcast_in_dim3A_277 = vector.broadcast %jit3A_275 : i32 to vector<16xi32>
      %broadcast_in_dim3A_278 = vector.broadcast %jit3A_276 : i32 to vector<16xi32>
      %select_n3A_279 = arith.select %gt3A_274, %broadcast_in_dim3A_277, %broadcast_in_dim3A_278 : vector<16xi1>, vector<16xi32>
      %add3A_280 = arith.addi %add3A_272, %select_n3A_279 : vector<16xi32>
      %gather3A_281 = tpu.vector_load_idx %arg10[%add3A_241, %gather3A_49] : memref<512x128xf32, #tpu.memory_space<vmem>>[vector<16xi32>, vector<16xi32>], vector<16xf32>,
      %gt3A_282 = arith.cmpf ogt, %gather3A_281, %gather3A_97 : vector<16xf32>
      %jit3A_283 = arith.constant 1024 : i32
      %jit3A_284 = arith.constant 0 : i32
      %broadcast_in_dim3A_285 = vector.broadcast %jit3A_283 : i32 to vector<16xi32>
      %broadcast_in_dim3A_286 = vector.broadcast %jit3A_284 : i32 to vector<16xi32>
      %select_n3A_287 = arith.select %gt3A_282, %broadcast_in_dim3A_285, %broadcast_in_dim3A_286 : vector<16xi1>, vector<16xi32>
      %add3A_288 = arith.addi %add3A_280, %select_n3A_287 : vector<16xi32>
      %gather3A_289 = tpu.vector_load_idx %arg10[%add3A_241, %gather3A_52] : memref<512x128xf32, #tpu.memory_space<vmem>>[vector<16xi32>, vector<16xi32>], vector<16xf32>,
      %gt3A_290 = arith.cmpf ogt, %gather3A_289, %gather3A_100 : vector<16xf32>
      %jit3A_291 = arith.constant 512 : i32
      %jit3A_292 = arith.constant 0 : i32
      %broadcast_in_dim3A_293 = vector.broadcast %jit3A_291 : i32 to vector<16xi32>
      %broadcast_in_dim3A_294 = vector.broadcast %jit3A_292 : i32 to vector<16xi32>
      %select_n3A_295 = arith.select %gt3A_290, %broadcast_in_dim3A_293, %broadcast_in_dim3A_294 : vector<16xi1>, vector<16xi32>
      %add3A_296 = arith.addi %add3A_288, %select_n3A_295 : vector<16xi32>
      %gather3A_297 = tpu.vector_load_idx %arg10[%add3A_241, %gather3A_55] : memref<512x128xf32, #tpu.memory_space<vmem>>[vector<16xi32>, vector<16xi32>], vector<16xf32>,
      %gt3A_298 = arith.cmpf ogt, %gather3A_297, %gather3A_103 : vector<16xf32>
      %jit3A_299 = arith.constant 256 : i32
      %jit3A_300 = arith.constant 0 : i32
      %broadcast_in_dim3A_301 = vector.broadcast %jit3A_299 : i32 to vector<16xi32>
      %broadcast_in_dim3A_302 = vector.broadcast %jit3A_300 : i32 to vector<16xi32>
      %select_n3A_303 = arith.select %gt3A_298, %broadcast_in_dim3A_301, %broadcast_in_dim3A_302 : vector<16xi1>, vector<16xi32>
      %add3A_304 = arith.addi %add3A_296, %select_n3A_303 : vector<16xi32>
      %gather3A_305 = tpu.vector_load_idx %arg10[%add3A_241, %gather3A_58] : memref<512x128xf32, #tpu.memory_space<vmem>>[vector<16xi32>, vector<16xi32>], vector<16xf32>,
      %gt3A_306 = arith.cmpf ogt, %gather3A_305, %gather3A_106 : vector<16xf32>
      %jit3A_307 = arith.constant 128 : i32
      %jit3A_308 = arith.constant 0 : i32
      %broadcast_in_dim3A_309 = vector.broadcast %jit3A_307 : i32 to vector<16xi32>
      %broadcast_in_dim3A_310 = vector.broadcast %jit3A_308 : i32 to vector<16xi32>
      %select_n3A_311 = arith.select %gt3A_306, %broadcast_in_dim3A_309, %broadcast_in_dim3A_310 : vector<16xi1>, vector<16xi32>
      %add3A_312 = arith.addi %add3A_304, %select_n3A_311 : vector<16xi32>
      %gather3A_313 = tpu.vector_load_idx %arg10[%add3A_241, %gather3A_61] : memref<512x128xf32, #tpu.memory_space<vmem>>[vector<16xi32>, vector<16xi32>], vector<16xf32>,
      %gt3A_314 = arith.cmpf ogt, %gather3A_313, %gather3A_109 : vector<16xf32>
      %jit3A_315 = arith.constant 64 : i32
      %jit3A_316 = arith.constant 0 : i32
      %broadcast_in_dim3A_317 = vector.broadcast %jit3A_315 : i32 to vector<16xi32>
      %broadcast_in_dim3A_318 = vector.broadcast %jit3A_316 : i32 to vector<16xi32>
      %select_n3A_319 = arith.select %gt3A_314, %broadcast_in_dim3A_317, %broadcast_in_dim3A_318 : vector<16xi1>, vector<16xi32>
      %add3A_320 = arith.addi %add3A_312, %select_n3A_319 : vector<16xi32>
      %gather3A_321 = tpu.vector_load_idx %arg10[%add3A_241, %gather3A_64] : memref<512x128xf32, #tpu.memory_space<vmem>>[vector<16xi32>, vector<16xi32>], vector<16xf32>,
      %gt3A_322 = arith.cmpf ogt, %gather3A_321, %gather3A_112 : vector<16xf32>
      %jit3A_323 = arith.constant 32 : i32
      %jit3A_324 = arith.constant 0 : i32
      %broadcast_in_dim3A_325 = vector.broadcast %jit3A_323 : i32 to vector<16xi32>
      %broadcast_in_dim3A_326 = vector.broadcast %jit3A_324 : i32 to vector<16xi32>
      %select_n3A_327 = arith.select %gt3A_322, %broadcast_in_dim3A_325, %broadcast_in_dim3A_326 : vector<16xi1>, vector<16xi32>
      %add3A_328 = arith.addi %add3A_320, %select_n3A_327 : vector<16xi32>
      %gather3A_329 = tpu.vector_load_idx %arg10[%add3A_241, %gather3A_67] : memref<512x128xf32, #tpu.memory_space<vmem>>[vector<16xi32>, vector<16xi32>], vector<16xf32>,
      %gt3A_330 = arith.cmpf ogt, %gather3A_329, %gather3A_115 : vector<16xf32>
      %jit3A_331 = arith.constant 16 : i32
      %jit3A_332 = arith.constant 0 : i32
      %broadcast_in_dim3A_333 = vector.broadcast %jit3A_331 : i32 to vector<16xi32>
      %broadcast_in_dim3A_334 = vector.broadcast %jit3A_332 : i32 to vector<16xi32>
      %select_n3A_335 = arith.select %gt3A_330, %broadcast_in_dim3A_333, %broadcast_in_dim3A_334 : vector<16xi1>, vector<16xi32>
      %add3A_336 = arith.addi %add3A_328, %select_n3A_335 : vector<16xi32>
      %gather3A_337 = tpu.vector_load_idx %arg10[%add3A_241, %gather3A_70] : memref<512x128xf32, #tpu.memory_space<vmem>>[vector<16xi32>, vector<16xi32>], vector<16xf32>,
      %gt3A_338 = arith.cmpf ogt, %gather3A_337, %gather3A_118 : vector<16xf32>
      %jit3A_339 = arith.constant 8 : i32
      %jit3A_340 = arith.constant 0 : i32
      %broadcast_in_dim3A_341 = vector.broadcast %jit3A_339 : i32 to vector<16xi32>
      %broadcast_in_dim3A_342 = vector.broadcast %jit3A_340 : i32 to vector<16xi32>
      %select_n3A_343 = arith.select %gt3A_338, %broadcast_in_dim3A_341, %broadcast_in_dim3A_342 : vector<16xi1>, vector<16xi32>
      %add3A_344 = arith.addi %add3A_336, %select_n3A_343 : vector<16xi32>
      %gather3A_345 = tpu.vector_load_idx %arg10[%add3A_241, %gather3A_73] : memref<512x128xf32, #tpu.memory_space<vmem>>[vector<16xi32>, vector<16xi32>], vector<16xf32>,
      %gt3A_346 = arith.cmpf ogt, %gather3A_345, %gather3A_121 : vector<16xf32>
      %jit3A_347 = arith.constant 4 : i32
      %jit3A_348 = arith.constant 0 : i32
      %broadcast_in_dim3A_349 = vector.broadcast %jit3A_347 : i32 to vector<16xi32>
      %broadcast_in_dim3A_350 = vector.broadcast %jit3A_348 : i32 to vector<16xi32>
      %select_n3A_351 = arith.select %gt3A_346, %broadcast_in_dim3A_349, %broadcast_in_dim3A_350 : vector<16xi1>, vector<16xi32>
      %add3A_352 = arith.addi %add3A_344, %select_n3A_351 : vector<16xi32>
      %gather3A_353 = tpu.vector_load_idx %arg10[%add3A_241, %gather3A_76] : memref<512x128xf32, #tpu.memory_space<vmem>>[vector<16xi32>, vector<16xi32>], vector<16xf32>,
      %gt3A_354 = arith.cmpf ogt, %gather3A_353, %gather3A_124 : vector<16xf32>
      %jit3A_355 = arith.constant 2 : i32
      %jit3A_356 = arith.constant 0 : i32
      %broadcast_in_dim3A_357 = vector.broadcast %jit3A_355 : i32 to vector<16xi32>
      %broadcast_in_dim3A_358 = vector.broadcast %jit3A_356 : i32 to vector<16xi32>
      %select_n3A_359 = arith.select %gt3A_354, %broadcast_in_dim3A_357, %broadcast_in_dim3A_358 : vector<16xi1>, vector<16xi32>
      %add3A_360 = arith.addi %add3A_352, %select_n3A_359 : vector<16xi32>
      %gather3A_361 = tpu.vector_load_idx %arg10[%add3A_241, %gather3A_79] : memref<512x128xf32, #tpu.memory_space<vmem>>[vector<16xi32>, vector<16xi32>], vector<16xf32>,
      %gt3A_362 = arith.cmpf ogt, %gather3A_361, %gather3A_127 : vector<16xf32>
      %jit3A_363 = arith.constant 1 : i32
      %jit3A_364 = arith.constant 0 : i32
      %broadcast_in_dim3A_365 = vector.broadcast %jit3A_363 : i32 to vector<16xi32>
      %broadcast_in_dim3A_366 = vector.broadcast %jit3A_364 : i32 to vector<16xi32>
      %select_n3A_367 = arith.select %gt3A_362, %broadcast_in_dim3A_365, %broadcast_in_dim3A_366 : vector<16xi1>, vector<16xi32>
      %add3A_368 = arith.addi %add3A_360, %select_n3A_367 : vector<16xi32>
      %mul3A_369 = arith.constant 16 : i32
      %mul3A_370 = arith.muli %scan3A_235, %mul3A_369 : i32
      %swap3A_371 = arith.index_cast %mul3A_370 : i32 to index
      %swap3A_372 = tpu.vector_load %arg12[%swap3A_371] {strides = array<i32>} : memref<128xi32, #tpu.memory_space<vmem>>, vector<16xi32>,
      tpu.vector_store %arg12[%swap3A_371], %add3A_368 {strides = array<i32>} : memref<128xi32, #tpu.memory_space<vmem>>, vector<16xi32>,
    }
    %scan3A_201 = arith.constant 8 : i32
    %dma_wait3A_202 = arith.constant 0 : i32
    %dma_wait3A_203 = tpu.memref_slice %arg6[%add3A_191, %dma_wait3A_202] : memref<16384x128xf32, #tpu.memory_space<hbm>> -> memref<128x128xf32, #tpu.memory_space<hbm>>
    %dma_wait3A_204 = arith.constant 0 : i32
    %dma_wait3A_205 = tpu.memref_slice %arg6[%add3A_191, %dma_wait3A_204] : memref<16384x128xf32, #tpu.memory_space<hbm>> -> memref<128x128xf32, #tpu.memory_space<hbm>>
    tpu.wait_dma2 semaphore(%arg20 : memref<!tpu.dma_semaphore, #tpu.memory_space<semaphore_mem>>) src(%arg14 : memref<128x128xf32, #tpu.memory_space<vmem>>) dst(%dma_wait3A_205 : memref<128x128xf32, #tpu.memory_space<hbm>>)
    %dma_start3A_206 = arith.constant 0 : i32
    %dma_start3A_207 = arith.constant 0 : i32
    %dma_start3A_208 = tpu.memref_slice %arg5[%dma_start3A_206, %dma_start3A_207] : memref<65536x128xf32, #tpu.memory_space<hbm>> -> memref<65536x128xf32, #tpu.memory_space<hbm>>
    tpu.enqueue_indirect_dma source(%dma_start3A_208 : memref<65536x128xf32, #tpu.memory_space<hbm>>) target(%arg14 : memref<128x128xf32, #tpu.memory_space<vmem>>) offsets(%arg12 : memref<128xi32, #tpu.memory_space<vmem>>) semaphore(%arg18 : memref<!tpu.dma_semaphore, #tpu.memory_space<semaphore_mem>>)
    %dma_wait3A_209 = arith.constant 0 : i32
    %dma_wait3A_210 = arith.constant 0 : i32
    %dma_wait3A_211 = tpu.memref_slice %arg5[%dma_wait3A_209, %dma_wait3A_210] : memref<65536x128xf32, #tpu.memory_space<hbm>> -> memref<65536x128xf32, #tpu.memory_space<hbm>>
    tpu.wait_indirect_dma semaphore(%arg17 : memref<!tpu.dma_semaphore, #tpu.memory_space<semaphore_mem>>) src(%dma_wait3A_211 : memref<65536x128xf32, #tpu.memory_space<hbm>>) dst(%arg13 : memref<128x128xf32, #tpu.memory_space<vmem>>)
    %add3A_212 = arith.constant 256 : i32
    %add3A_213 = arith.addi %mul3A_2, %add3A_212 : i32
    %dma_start3A_214 = arith.constant 0 : i32
    %dma_start3A_215 = tpu.memref_slice %arg6[%add3A_213, %dma_start3A_214] : memref<16384x128xf32, #tpu.memory_space<hbm>> -> memref<128x128xf32, #tpu.memory_space<hbm>>
    %dma_start3A_216 = arith.constant 0 : i32
    %dma_start3A_217 = tpu.memref_slice %arg6[%add3A_213, %dma_start3A_216] : memref<16384x128xf32, #tpu.memory_space<hbm>> -> memref<128x128xf32, #tpu.memory_space<hbm>>
    tpu.enqueue_dma source(%arg13 : memref<128x128xf32, #tpu.memory_space<vmem>>) target(%dma_start3A_217 : memref<128x128xf32, #tpu.memory_space<hbm>>) target_semaphore(%arg19 : memref<!tpu.dma_semaphore, #tpu.memory_space<semaphore_mem>>)
    %dma_wait3A_218 = arith.constant 0 : i32
    %dma_wait3A_219 = arith.constant 0 : i32
    %dma_wait3A_220 = tpu.memref_slice %arg5[%dma_wait3A_218, %dma_wait3A_219] : memref<65536x128xf32, #tpu.memory_space<hbm>> -> memref<65536x128xf32, #tpu.memory_space<hbm>>
    tpu.wait_indirect_dma semaphore(%arg18 : memref<!tpu.dma_semaphore, #tpu.memory_space<semaphore_mem>>) src(%dma_wait3A_220 : memref<65536x128xf32, #tpu.memory_space<hbm>>) dst(%arg14 : memref<128x128xf32, #tpu.memory_space<vmem>>)
    %add3A_221 = arith.constant 384 : i32
    %add3A_222 = arith.addi %mul3A_2, %add3A_221 : i32
    %dma_start3A_223 = arith.constant 0 : i32
    %dma_start3A_224 = tpu.memref_slice %arg6[%add3A_222, %dma_start3A_223] : memref<16384x128xf32, #tpu.memory_space<hbm>> -> memref<128x128xf32, #tpu.memory_space<hbm>>
    %dma_start3A_225 = arith.constant 0 : i32
    %dma_start3A_226 = tpu.memref_slice %arg6[%add3A_222, %dma_start3A_225] : memref<16384x128xf32, #tpu.memory_space<hbm>> -> memref<128x128xf32, #tpu.memory_space<hbm>>
    tpu.enqueue_dma source(%arg14 : memref<128x128xf32, #tpu.memory_space<vmem>>) target(%dma_start3A_226 : memref<128x128xf32, #tpu.memory_space<hbm>>) target_semaphore(%arg20 : memref<!tpu.dma_semaphore, #tpu.memory_space<semaphore_mem>>)
    %dma_wait3A_227 = arith.constant 0 : i32
    %dma_wait3A_228 = tpu.memref_slice %arg6[%add3A_213, %dma_wait3A_227] : memref<16384x128xf32, #tpu.memory_space<hbm>> -> memref<128x128xf32, #tpu.memory_space<hbm>>
    %dma_wait3A_229 = arith.constant 0 : i32
    %dma_wait3A_230 = tpu.memref_slice %arg6[%add3A_213, %dma_wait3A_229] : memref<16384x128xf32, #tpu.memory_space<hbm>> -> memref<128x128xf32, #tpu.memory_space<hbm>>
    tpu.wait_dma2 semaphore(%arg19 : memref<!tpu.dma_semaphore, #tpu.memory_space<semaphore_mem>>) src(%arg13 : memref<128x128xf32, #tpu.memory_space<vmem>>) dst(%dma_wait3A_230 : memref<128x128xf32, #tpu.memory_space<hbm>>)
    %dma_wait3A_231 = arith.constant 0 : i32
    %dma_wait3A_232 = tpu.memref_slice %arg6[%add3A_222, %dma_wait3A_231] : memref<16384x128xf32, #tpu.memory_space<hbm>> -> memref<128x128xf32, #tpu.memory_space<hbm>>
    %dma_wait3A_233 = arith.constant 0 : i32
    %dma_wait3A_234 = tpu.memref_slice %arg6[%add3A_222, %dma_wait3A_233] : memref<16384x128xf32, #tpu.memory_space<hbm>> -> memref<128x128xf32, #tpu.memory_space<hbm>>
    tpu.wait_dma2 semaphore(%arg20 : memref<!tpu.dma_semaphore, #tpu.memory_space<semaphore_mem>>) src(%arg14 : memref<128x128xf32, #tpu.memory_space<vmem>>) dst(%dma_wait3A_234 : memref<128x128xf32, #tpu.memory_space<hbm>>)
    return
  }
}

</mosaic_0001>

<sc_bundles>
// kernel: kernel.3.cloned.1.call-start
scs
__scs_entry_jumppad:
0x0: {  	(pc) =	sbr.rel $0x88, $3  }
0x1: {  	(tag) =	ssettag $0x0;
	lr =	simm.s32 $0x1  }
0x2: {  	[smem:$0x3F9D] =	sst lr;
	_ =	strace $0xD0000000  }
0x3: {  	_ = 	snop  }
0x4: {  	_ = 	snop  }
0x5: {  	_ = 	snop  }
0x6: {  	_ = 	snop  }
0x7: {  	_ = 	snop  }
__scs_overlays_trampoline_lowered:
0x8: {  	[smem:$0x3FAC] =	sst s0  }
0x9: {  	[smem:$0x3FAD] =	sst s1  }
0xa: {  	[smem:$0x3FAE] =	sst s2  }
0xb: {  	[smem:$0x3FAF] =	sst s3  }
0xc: {  	[smem:$0x3FB0] =	sst s4  }
0xd: {  	[smem:$0x3FB1] =	sst s5  }
0xe: {  	[smem:$0x3FB2] =	sst s6  }
0xf: {  	[smem:$0x3FB3] =	sst s7  }
0x10: {  	[smem:$0x3FB4] =	sst s8  }
0x11: {  	[smem:$0x3FB5] =	sst s9;
	s0 =	simm.s32 @!p0 $0x0  }
0x12: {  	s1 =	sld [smem:$0x3F9B];
	s0 =	simm.s32 @p0 $0x1  }
0x13: {  	[smem:$0x3FB6] =	sst s0;
	s0 =	simm.s32 @!p1 $0x0  }
0x14: {  	s2 =	sld [smem:$0x3F9A];
	s0 =	simm.s32 @p1 $0x1  }
0x15: {  	[smem:$0x3FB7] =	sst s0;
	s0 =	simm.s32 @!p2 $0x0  }
0x16: {  	s3 =	sld [smem:$0x3FDB];
	s0 =	simm.s32 @p2 $0x1  }
0x17: {  	s4 =	simm.s32 $0x1BF5;
	[smem:$0x3FB9] =	sst s0  }
0x18: {  	s0 =	sld [smem:$0x3F9C];
	_ =	swait.ge [sflag:s4], $0x0  }
0x19: {  	s7 =	sld [smem:$0x3F9D]  }
0x1a: {  	s8 =	sadd.s32 $0xFFFFE003, lr  }
0x1b: {  	s9 =	sadd.s32 $0xFFFFFEF7, lr;
	s5 =	simm.s32 $0xFFFFFFFF;
	p2 =	slt.u32 s8, $0xFFFFF086  }
0x1c: {  	p1 =	slt.u32 s9, $0xF7A;
	s5 =	simm.s32 @!p2 $0x0  }
0x1d: {  	s5 =	simm.s32 @p1 $0x1;
	p0 =	seq.s32 s7, s2  }
0x1e: {  	s7 =	smul.u32 @!p0 $0xF7A, s2;
	p2 =	seq.s32 @!p0 s5, $0x0  }
0x1f: {  	s9 =	smul.u32 $0xF7A, s1;
	s8 =	simm.s32 @!p0 $0x1BF5;
	p2 =	por !p2, p0  }
0x20: {  	[sflag:s8] =	ssyncset.s32 @!p0 $0xFFFFF086;
	s6 =	sadd.s32 @!p0 s3, s7;
	s7 =	simm.s32 @!p0 $0x108  }
0x21: {  	s3 =	sadd.s32 s3, s9;
	s6 =	sadd.s32 @!p0 $0x88, s6;
	s7 =	simm.s32 @p2 $0x1082  }
0x22: {  	[simem:s7], [sflag:s8] =	dma.local @!p0 [hbm:s6], $0xF7A  }
0x23: {  	s9 =	sor.u32 $0xD0000000, s2;
	s6 =	simm.s32 $0x108;
	_ =	swait.ge @!p0 [sflag:s8], $0x0  }
0x24: {  	s3 =	sadd.s32 $0x88, s3;
	s6 =	simm.s32 @!p1 $0x1082;
	[sflag:s4] =	ssyncset.s32 $0xFFFFF086  }
0x25: {  	[simem:s6], [sflag:s4] =	dma.local [hbm:s3], $0xF7A  }
0x26: {  	[smem:$0x3F9D] =	sst s1;
	(tag) =	ssettag s2;
	_ =	strace s9  }
0x27: {  	s1 =	sld [smem:$0x3FAD]  }
0x28: {  	s2 =	sld [smem:$0x3FAE]  }
0x29: {  	s4 =	sld [smem:$0x3FB0]  }
0x2a: {  	p0 =	seq.s32 s5, $0x0;
	s5 =	sld [smem:$0x3FB1]  }
0x2b: {  	s6 =	sld [smem:$0x3FB2]  }
0x2c: {  	s7 =	sld [smem:$0x3FB3]  }
0x2d: {  	s3 =	simm.s32 $0x108;
	s8 =	sld [smem:$0x3FB4]  }
0x2e: {  	s3 =	simm.s32 @!p0 $0x1082;
	s9 =	sld [smem:$0x3FB5]  }
0x2f: {  	lr =	sadd.s32 s0, s3;
	s0 =	sld [smem:$0x3FAC]  }
0x30: {  	s3 =	sld [smem:$0x3FAF]  }
0x31: {  	[smem:$0x3FB8] =	sst s10  }
0x32: {  	s10 =	sld [smem:$0x3FB6];
	_ =	sdelay $0x3  }
0x33: {  	p0 =	seq.s32 s10, $0x1;
	s10 =	sld [smem:$0x3FB8];
	_ =	sdelay $0x3  }
0x34: {  	[smem:$0x3FB8] =	sst s10  }
0x35: {  	s10 =	sld [smem:$0x3FB7];
	_ =	sdelay $0x3  }
0x36: {  	p1 =	seq.s32 s10, $0x1;
	s10 =	sld [smem:$0x3FB8];
	_ =	sdelay $0x3  }
0x37: {  	[smem:$0x3FB8] =	sst s10  }
0x38: {  	s10 =	sld [smem:$0x3FB9]  }
0x39: {  	_ = 	snop;
	(pc) =	sbr.ind lr, $3  }
0x3a: {  	_ = 	snop  }
0x3b: {  	_ = 	snop  }
0x3c: {  	p2 =	seq.s32 s10, $0x1;
	s10 =	sld [smem:$0x3FB8]  }
0x3d: {  	_ =	shalt  }
0x3e: {  	_ =	shalt  }
0x3f: {  	_ =	shalt  }
0x40: {  	_ =	shalt  }
0x41: {  	_ =	shalt  }
0x42: {  	_ =	shalt  }
0x43: {  	_ =	shalt  }
0x44: {  	_ =	shalt  }
0x45: {  	_ =	shalt  }
0x46: {  	_ =	shalt  }
0x47: {  	_ =	shalt  }
0x48: {  	_ =	shalt  }
0x49: {  	_ =	shalt  }
0x4a: {  	_ =	shalt  }
0x4b: {  	_ =	shalt  }
0x4c: {  	_ =	shalt  }
0x4d: {  	_ =	shalt  }
0x4e: {  	_ =	shalt  }
0x4f: {  	_ =	shalt  }
0x50: {  	_ =	shalt  }
0x51: {  	_ =	shalt  }
0x52: {  	_ =	shalt  }
0x53: {  	_ =	shalt  }
0x54: {  	_ =	shalt  }
0x55: {  	_ =	shalt  }
0x56: {  	_ =	shalt  }
0x57: {  	_ =	shalt  }
0x58: {  	_ =	shalt  }
0x59: {  	_ =	shalt  }
0x5a: {  	_ =	shalt  }
0x5b: {  	_ =	shalt  }
0x5c: {  	_ =	shalt  }
0x5d: {  	_ =	shalt  }
0x5e: {  	_ =	shalt  }
0x5f: {  	_ =	shalt  }
0x60: {  	_ =	shalt  }
0x61: {  	_ =	shalt  }
0x62: {  	_ =	shalt  }
0x63: {  	_ =	shalt  }
0x64: {  	_ =	shalt  }
0x65: {  	_ =	shalt  }
0x66: {  	_ =	shalt  }
0x67: {  	_ =	shalt  }
0x68: {  	_ =	shalt  }
0x69: {  	_ =	shalt  }
0x6a: {  	_ =	shalt  }
0x6b: {  	_ =	shalt  }
0x6c: {  	_ =	shalt  }
0x6d: {  	_ =	shalt  }
0x6e: {  	_ =	shalt  }
0x6f: {  	_ =	shalt  }
0x70: {  	_ =	shalt  }
0x71: {  	_ =	shalt  }
0x72: {  	_ =	shalt  }
0x73: {  	_ =	shalt  }
0x74: {  	_ =	shalt  }
0x75: {  	_ =	shalt  }
0x76: {  	_ =	shalt  }
0x77: {  	_ =	shalt  }
0x78: {  	_ =	shalt  }
0x79: {  	_ =	shalt  }
0x7a: {  	_ =	shalt  }
0x7b: {  	_ =	shalt  }
0x7c: {  	_ =	shalt  }
0x7d: {  	_ =	shalt  }
0x7e: {  	_ =	shalt  }
0x7f: {  	_ =	shalt  }
0x80: {  	_ =	shalt  }
0x81: {  	_ =	shalt  }
0x82: {  	_ =	shalt  }
0x83: {  	_ =	shalt  }
0x84: {  	_ =	shalt  }
0x85: {  	_ =	shalt  }
0x86: {  	_ =	shalt  }
0x87: {  	_ =	shalt  }
.Lfunc_end0:
.L_simem_size_0:
called_computation_lowered:
.L_overlay_start_0:
0x88: {  	s2 =	sld [smem:$0x3FD9]  }
0x89: {  	s3 =	sld [smem:$0x3FFE];
	_ =	sdelay $0x1  }
0x8a: {  	s1 =	srdreg.scid  }
0x8b: {  	s0 =	sand.u32 $0x1, s1  }
0x8c: {  	s18 =	sshll.u32 s0, $0xA;
	s2 =	sadd.s32 s3, s2  }
0x8d: {  	s2 =	sadd.s32 s2, s18  }
0x8e: {  	[smem:$0x3FC4] =	sst s2  }
0x8f: {  	_ = 	snop  }
0x90: {  	s2 =	sld [smem:$0x3FC9]  }
0x91: {  	s19 =	sld [smem:$0x3FC8]  }
0x92: {  	s4 =	sld [smem:$0x3FC7]  }
0x93: {  	s5 =	sld [smem:$0x3FC6]  }
0x94: {  	s6 =	sld [smem:$0x3FD0];
	(tm) =	ssettm $0x1  }
0x95: {  	s7 =	sld [smem:$0x3FFB];
	_ =	sdelay $0x3  }
0x96: {  	_ =	strace s7  }
0x97: {  	s7 =	sld [smem:$0x3FFC];
	_ =	sdelay $0x3  }
0x98: {  	_ =	strace s7  }
0x99: {  	s7 =	sld [smem:$0x3FFD];
	_ =	sdelay $0x3  }
0x9a: {  	_ =	strace s7  }
0x9b: {  	_ =	strace $0x8FFFFFFF  }
0x9c: {  	s20 =	sld [smem:$0x3FDB];
	_ =	sdelay $0x1  }
0x9d: {  	s8 =	simm.s32 $_scs_section_size  }
0x9e: {  	s9 =	simm.s32 $_size__tile_overlayer_lowered;
	s10 =	simm.s32 $_tile_overlayer_lowered  }
0x9f: {  	s23 =	simm.s32 $0x1BFF;
	s22 =	sshll.u32 s10, $0x1;
	s7 =	sadd.s32 s8, s20  }
0xa0: {  	s11 =	simm.s32 $0x0;
	s21 =	sshll.u32 s9, $0x1;
	s9 =	sadd.s32 s22, s7  }
0xa1: {  	[timem:s11], [sflag:s23] =	dma.local [hbm:s9], s21  }
0xa2: {  	_ =	swait.ge [sflag:s23], s21  }
0xa3: {  	s8 =	ssub.s32 $0x0, s21;
	[sflag:s23] =	ssyncset.done $0x0  }
0xa4: {  	[sflag:s23] =	ssyncadd.s32 s8;
	_ =	sdelay $0x1  }
0xa5: {  	s24 =	simm.s32 $0x1B8B  }
0xa6: {  	_ =	swait.ge [sflag:s24], $0x1  }
0xa7: {  	[sflag:s24] =	ssyncset.done $0x0  }
0xa8: {  	s25 =	simm.s32 $0x1B8E;
	[sflag:s24] =	ssyncadd.s32 $0xFFFFFFFF  }
0xa9: {  	s26 =	simm.s32 $execute0_lowered;
	[smem:$0x3FD2] =	sst s25  }
0xaa: {  	s8 =	sshll.u32 s26, $0x1;
	_ =	strace $0x80000046;
	[dreg:$0x1] =	wrdreg $0xFFFFFFFF  }
0xab: {  	s28 =	simm.s32 $_size_execute0_lowered;
	s7 =	sadd.s32 s7, s8;
	[dreg:$0x0] =	wrdreg $0x0  }
0xac: {  	s8 =	sshll.u32 s28, $0x1;
	[dreg:$0x2] =	wrdreg s7  }
0xad: {  	[dreg:$0x3] =	wrdreg s8  }
0xae: {  	[dreg:$0x4] =	wrdreg $0xC0  }
0xaf: {  	_ =	task [dreg:s11], $0x5FFFF  }
0xb0: {  	[dreg:$0x1] =	wrdreg $0xFFFFFFFF  }
0xb1: {  	[dreg:$0x0] =	wrdreg $0x60  }
0xb2: {  	[dreg:$0x2] =	wrdreg s2  }
0xb3: {  	[dreg:$0x3] =	wrdreg s19  }
0xb4: {  	[dreg:$0x4] =	wrdreg s4  }
0xb5: {  	[dreg:$0x5] =	wrdreg s5  }
0xb6: {  	[dreg:$0x6] =	wrdreg s6  }
0xb7: {  	[dreg:$0x7] =	wrdreg $0x9  }
0xb8: {  	_ =	task.clear_ibuf [dreg:s11], $0x8FFFF;
	_ =	strace $0x90000046  }
0xb9: {  	s29 =	simm.s32 $0x9;
	_ =	strace $0x80000048  }
0xba: {  	_ =	swait.ge [sflag:s29], $0x1  }
0xbb: {  	[sflag:s29] =	ssyncadd.s32 $0xFFFFFFFF  }
0xbc: {  	_ =	strace $0x90000048  }
0xbd: {  	_ =	sfence  }
0xbe: {  	s30 =	sld [smem:$0x0];
	_ =	sdelay $0x2  }
0xbf: {  	s31 =	sshll.u32 s1, $0xD;
	s1 =	sshrl.u32 s1, $0x2  }
0xc0: {  	s3 =	sand.u32 $0x4000, s31;
	s1 =	sadd.s32 s1, s30  }
0xc1: {  	s0 =	sor.u32 s3, s0;
	s1 =	sshll.u32 s1, $0x11  }
0xc2: {  	s0 =	sor.u32 s1, s0  }
0xc3: {  	s0 =	sadd.s32 $0x8F2B, s0  }
0xc4: {  	[sflag:s0] =	ssyncadd.remote.s32 $0x1  }
0xc5: {  	_ =	sfence.sel $0xFFFF  }
0xc6: {  	[dreg:$0x0] =	wrdreg $0xFFFFFFFF;
	(pc) =	sbr.abs _section_cstart, $3  }
0xc7: {  	[dreg:$0x1] =	wrdreg $0xFFFFFFFF  }
0xc8: {  	_ =	task.clear_ibuf [dreg:s11], $0x2FFFF;
	_ =	strace $0x9FFFFFFF  }
0xc9: {  	(tm) =	ssettm $0x7FFFFFFF  }
tec
execute0_lowered:
.L_overlay_start_1:
0x0: {  	(tag) =	ssettag $0x1  }
0x1: {  	s0 =	rddreg [dreg:$0x0]  }
0x2: {  	s2 =	rddreg [dreg:$0x2]  }
0x3: {  	s3 =	rddreg [dreg:$0x3]  }
0x4: {  	s1 =	rddreg [dreg:$0x4];
	s5 =	simm.s32 $0x0;
	s4 =	srdreg.scid  }
0x5: {  	s7 =	stileid.u32;
	s13 =	simm.s32 $0x900;
	s14 =	simm.s32 $0x8900  }
0x6: {  	s15 =	simm.s32 $0x7;
	s16 =	simm.s32 $0x810;
	s17 =	simm.s32 $0x880  }
0x7: {  	s18 =	simm.s32 $0x800;
	s19 =	simm.s32 $0x1;
	s20 =	simm.s32 $0x10900  }
0x8: {  	s21 =	simm.s32 $0x10A00;
	s22 =	simm.s32 $0x80;
	s23 =	simm.s32 $0x10980  }
0x9: {  	s24 =	simm.s32 $0x14A00;
	s25 =	simm.s32 $0x3;
	s26 =	simm.s32 $0x2  }
0xa: {  	s28 =	simm.s32 $0x5;
	s29 =	simm.s32 $0x4;
	s30 =	simm.s32 $0x6  }
0xb: {  	s31 =	simm.s32 $0x0;
	[smem:$0x7FF] =	sst s5;
	s4 =	sand.u32 $0x1, s4  }
0xc: {  	v0 =	vlaneseq.u32;
	s7 =	sshll.u32 s7, $0xE;
	s6 =	ssub.s32 $0x2, s4;
	s4 =	sshll.u32 s4, $0xD  }
0xd: {  	v7 =	vimm.s32 $0x16;
	v8 =	vimm.s32 $0x17;
	v9 =	vimm.s32 $0x18;
	_ =	strace $0x80000047;
	s8 =	sshrl.u32 s6, $0x1;
	s4 =	sor.u32 s4, s7  }
0xe: {  	v10 =	vimm.s32 $0x19;
	v11 =	vimm.s32 $0x1A;
	v12 =	vimm.s32 $0x1B;
	s12 =	ssub.s32 s6, s8;
	s10 =	sor.u32 $0x1000, s4;
	s6 =	sadd.s32 s1, s4  }
0xf: {  	v13 =	vimm.s32 $0x1C;
	v14 =	vimm.s32 $0x1D;
	v15 =	vimm.s32 $0x1E;
	s7 =	sadd.s32 s0, s4;
	s8 =	sadd.s32 s0, s10;
	s9 =	sadd.s32 $0x800, s6  }
0x10: {  	v16 =	vimm.s32 $0x1F;
	v17 =	vimm.s32 $0x0;
	v0 =	vmul.u32 $0x80, v0;
	s10 =	sadd.s32 s1, s10;
	s11 =	sadd.s32 $0x1800, s6;
	s12 =	smax.u32 s12, $0x1  }
.LBB2_1:
0x11: {  	[tilespmem:s13], [sflag:$0x1] =	stream.linear.gather [hbm4b:s7+s5], $0x8000, $0x38;
	[tilespmem:$0x18A00] =	vst v63  }
0x12: {  	_ = 	snop  }
0x13: {  	[tilespmem:s14], [sflag:$0x2] =	stream.linear.gather [hbm4b:s8+s5], $0x8000, $0x38;
	[tilespmem:$0x18A00] =	vst v63  }
0x14: {  	s0 =	rddreg [dreg:$0x1]  }
0x15: {  	[tilespmem:s5], [sflag:$0x7] =	stream.linear.gather [hbm4b:s0+s5], $0x800, $0x38;
	[tilespmem:$0x18A00] =	vst v63  }
0x16: {  	_ =	swait.ge [sflag:s15], $0x800  }
0x17: {  	[sflag:s15] =	ssyncset.done $0x0  }
0x18: {  	v18 =	vor.u32 s5, v0;
	[sflag:s15] =	ssyncadd.s32 $0xFFFFF800  }
0x19: {  	[tilespmem:s16], [sflag:$0x7] =	stream.linear.gather [hbm4b:s2+s5], $0x10, $0x38;
	[tilespmem:$0x18A00] =	vst v63  }
0x1a: {  	_ =	swait.ge [sflag:s15], $0x10  }
0x1b: {  	[sflag:s15] =	ssyncset.done $0x0  }
0x1c: {  	s0 =	simm.s32 $0x1;
	[sflag:s15] =	ssyncadd.s32 $0xFFFFFFF0  }
0x1d: {  	v19 =	vor.u32 s0, v0;
	v21 =	vld.idx.msk [tilespmem:v18+s5+$0x0], $0xffff;
	_ =	sdelay $0x3  }
0x1e: {  	v18 =	vimm.f32 $-Inf  }
0x1f: {  	s4 =	simm.s32 $0x2;
	s1 =	simm.s32 $0x0;
	v20 =	vimm.s32 $0x0;
	v19 =	vld.idx.msk [tilespmem:v19+s5+$0x0], $0xffff;
	vm0 =	vgt.f32 v21, v18  }
.LBB2_2:
0x20: {  	p0 =	sne.s32 s4, $0x7F  }
0x21: {  	v22 =	vor.u32 s4, v0;
	v18 =	vsel vm0, v21, v18;
	v20 =	vsel vm0, s1, v20;
	s1 =	smov.u32 s0;
	s0 =	smov.u32 s4;
	s4 =	sadd.s32 $0x1, s4  }
.Ltmp0:
0x22: {  	(pc) =	sbr.rel @p0 .LBB2_2-.Ltmp0, $2  }
0x23: {  	_ =	sdelay $0x2  }
0x24: {  	vm0 =	vgt.f32 v19, v18;
	v21 =	vmov v19;
	v19 =	vld.idx.msk [tilespmem:v22+s5+$0x0], $0xffff  }
0x25: {  	_ =	sdelay $0x1  }
0x26: {  	v1 =	vimm.s32 $0x10  }
0x27: {  	v18 =	vsel vm0, v21, v18;
	v2 =	vimm.s32 $0x11  }
0x28: {  	v20 =	vsel vm0, s1, v20;
	v3 =	vimm.s32 $0x12;
	vm0 =	vgt.f32 v19, v18  }
0x29: {  	v4 =	vimm.s32 $0x13;
	v18 =	vsel vm0, s0, v20  }
0x2a: {  	v5 =	vimm.s32 $0x14;
	[tilespmem:$0x890] =	vst v18  }
0x2b: {  	v6 =	vimm.s32 $0x15;
	v48 =	vld.idx.msk [tilespmem:v1+s17+$0x0], $0xffff  }
0x2c: {  	v49 =	vld.idx.msk [tilespmem:v2+s17+$0x0], $0xffff  }
0x2d: {  	v47 =	vld.idx.msk [tilespmem:v3+s17+$0x0], $0xffff  }
0x2e: {  	v46 =	vld.idx.msk [tilespmem:v4+s17+$0x0], $0xffff  }
0x2f: {  	v45 =	vld.idx.msk [tilespmem:v5+s17+$0x0], $0xffff  }
0x30: {  	v43 =	vld.idx.msk [tilespmem:v6+s17+$0x0], $0xffff  }
0x31: {  	v42 =	vld.idx.msk [tilespmem:v7+s17+$0x0], $0xffff  }
0x32: {  	v41 =	vld.idx.msk [tilespmem:v8+s17+$0x0], $0xffff  }
0x33: {  	v40 =	vld.idx.msk [tilespmem:v9+s17+$0x0], $0xffff  }
0x34: {  	v37 =	vld.idx.msk [tilespmem:v10+s17+$0x0], $0xffff  }
0x35: {  	v36 =	vld.idx.msk [tilespmem:v11+s17+$0x0], $0xffff  }
0x36: {  	v33 =	vld.idx.msk [tilespmem:v12+s17+$0x0], $0xffff  }
0x37: {  	v31 =	vld.idx.msk [tilespmem:v13+s17+$0x0], $0xffff  }
0x38: {  	v38 =	vld.idx.msk [tilespmem:v14+s17+$0x0], $0xffff  }
0x39: {  	v39 =	vld.idx.msk [tilespmem:v15+s17+$0x0], $0xffff  }
0x3a: {  	v44 =	vld.idx.msk [tilespmem:v16+s17+$0x0], $0xffff  }
0x3b: {  	v34 =	vld.idx.msk [tilespmem:v1+s18+$0x0], $0xffff  }
0x3c: {  	v35 =	vld.idx.msk [tilespmem:v2+s18+$0x0], $0xffff  }
0x3d: {  	v32 =	vld.idx.msk [tilespmem:v3+s18+$0x0], $0xffff  }
0x3e: {  	v30 =	vld.idx.msk [tilespmem:v4+s18+$0x0], $0xffff  }
0x3f: {  	v29 =	vld.idx.msk [tilespmem:v5+s18+$0x0], $0xffff  }
0x40: {  	v28 =	vld.idx.msk [tilespmem:v6+s18+$0x0], $0xffff  }
0x41: {  	v27 =	vld.idx.msk [tilespmem:v7+s18+$0x0], $0xffff  }
0x42: {  	v26 =	vld.idx.msk [tilespmem:v8+s18+$0x0], $0xffff  }
0x43: {  	v25 =	vld.idx.msk [tilespmem:v9+s18+$0x0], $0xffff  }
0x44: {  	s4 =	simm.s32 $0x0;
	v24 =	vld.idx.msk [tilespmem:v10+s18+$0x0], $0xffff  }
0x45: {  	v18 =	vmov s4;
	v23 =	vld.idx.msk [tilespmem:v11+s18+$0x0], $0xffff  }
0x46: {  	v22 =	vld.idx.msk [tilespmem:v12+s18+$0x0], $0xffff;
	v18 =	vshll.u32 v18, $0x7  }
0x47: {  	v21 =	vld.idx.msk [tilespmem:v13+s18+$0x0], $0xffff;
	v50 =	vor.u32 v0, v18  }
0x48: {  	v20 =	vld.idx.msk [tilespmem:v14+s18+$0x0], $0xffff;
	v51 =	vadd.s32 v48, v50  }
0x49: {  	v19 =	vld.idx.msk [tilespmem:v15+s18+$0x0], $0xffff;
	v52 =	vadd.s32 v49, v50  }
0x4a: {  	v18 =	vld.idx.msk [tilespmem:v16+s18+$0x0], $0xffff;
	_ =	swait.ge [sflag:s19], $0x8000;
	v53 =	vadd.s32 v47, v50  }
0x4b: {  	[sflag:s19] =	ssyncset.done $0x0;
	v54 =	vadd.s32 v46, v50  }
0x4c: {  	[sflag:s19] =	ssyncadd.s32 $0xFFFF8000  }
0x4d: {  	v55 =	vadd.s32 v45, v50;
	v51 =	vld.idx.msk [tilespmem:v51+s13+$0x0], $0xffff  }
0x4e: {  	v57 =	vadd.s32 v42, v50;
	v52 =	vld.idx.msk [tilespmem:v52+s13+$0x0], $0xffff  }
0x4f: {  	v56 =	vadd.s32 v43, v50;
	v53 =	vld.idx.msk [tilespmem:v53+s13+$0x0], $0xffff  }
0x50: {  	v59 =	vadd.s32 v40, v50;
	v54 =	vld.idx.msk [tilespmem:v54+s13+$0x0], $0xffff;
	_ =	sdelay $0x1  }
0x51: {  	v58 =	vadd.s32 v41, v50;
	v55 =	vld.idx.msk [tilespmem:v55+s13+$0x0], $0xffff  }
0x52: {  	v57 =	vld.idx.msk [tilespmem:v57+s13+$0x0], $0xffff;
	vm0 =	vgt.f32 v51, v34;
	vm1 =	vgt.f32 v52, v35  }
0x53: {  	v51 =	vadd.s32 v37, v50;
	v52 =	vld.idx.msk [tilespmem:v56+s13+$0x0], $0xffff;
	v56 =	vsel vm0, $0x8000, v17;
	v60 =	vsel vm1, $0x4000, v17  }
0x54: {  	v59 =	vld.idx.msk [tilespmem:v59+s13+$0x0], $0xffff;
	vm0 =	vgt.f32 v53, v32;
	v53 =	vadd.s32 v36, v50;
	vm1 =	vgt.f32 v54, v30  }
0x55: {  	v56 =	vor.u32 v56, v60;
	v60 =	vadd.s32 v33, v50;
	v61 =	vsel vm0, $0x2000, v17  }
0x56: {  	v58 =	vld.idx.msk [tilespmem:v58+s13+$0x0], $0xffff;
	v62 =	vsel vm1, $0x1000, v17;
	vm0 =	vgt.f32 v55, v29;
	v55 =	vadd.s32 v31, v50  }
0x57: {  	vm1 =	vgt.f32 v57, v27;
	v54 =	vor.u32 v61, v56;
	v63 =	vsel vm0, $0x800, v17  }
0x58: {  	v56 =	vadd.s32 v39, v50;
	vm0 =	vgt.f32 v52, v28;
	v52 =	vadd.s32 v38, v50  }
0x59: {  	s1 =	simm.s32 $0x10;
	v54 =	vor.u32 v62, v54;
	v62 =	vsel vm1, $0x200, v17;
	vm1 =	vgt.f32 v59, v25;
	v51 =	vld.idx.msk [tilespmem:v51+s13+$0x0], $0xffff  }
0x5a: {  	v54 =	vor.u32 v63, v54;
	v50 =	vadd.s32 v44, v50;
	v63 =	vmov s1;
	v53 =	vld.idx.msk [tilespmem:v53+s13+$0x0], $0xffff  }
0x5b: {  	v61 =	vsel vm0, $0x400, v17;
	vm0 =	vgt.f32 v58, v26;
	v57 =	vshll.u32 v63, $0x7;
	v58 =	vld.idx.msk [tilespmem:v60+s13+$0x0], $0xffff  }
0x5c: {  	v54 =	vor.u32 v61, v54;
	v55 =	vld.idx.msk [tilespmem:v55+s13+$0x0], $0xffff;
	v60 =	vsel vm0, $0x100, v17;
	v57 =	vor.u32 v0, v57  }
0x5d: {  	v61 =	vsel vm1, $0x80, v17;
	v54 =	vor.u32 v62, v54;
	v59 =	vadd.s32 v49, v57;
	v52 =	vld.idx.msk [tilespmem:v52+s13+$0x0], $0xffff  }
0x5e: {  	v56 =	vld.idx.msk [tilespmem:v56+s13+$0x0], $0xffff;
	v54 =	vadd.s32 v60, v54;
	vm0 =	vgt.f32 v51, v24;
	v51 =	vadd.s32 v48, v57  }
0x5f: {  	v54 =	vadd.s32 v61, v54;
	v50 =	vld.idx.msk [tilespmem:v50+s13+$0x0], $0xffff;
	vm1 =	vgt.f32 v53, v23;
	v62 =	vsel vm0, $0x40, v17  }
0x60: {  	v53 =	vadd.s32 v62, v54;
	v63 =	vsel vm1, $0x20, v17;
	vm0 =	vgt.f32 v58, v22  }
0x61: {  	v53 =	vadd.s32 v63, v53;
	v60 =	vsel vm0, $0x10, v17;
	vm0 =	vgt.f32 v55, v21  }
0x62: {  	v53 =	vadd.s32 v60, v53;
	v61 =	vsel vm0, $0x8, v17;
	vm0 =	vgt.f32 v52, v20  }
0x63: {  	v62 =	vadd.s32 v61, v53;
	v63 =	vsel vm0, $0x4, v17;
	vm0 =	vgt.f32 v56, v19  }
0x64: {  	v52 =	vadd.s32 v63, v62;
	v58 =	vsel vm0, $0x2, v17;
	vm0 =	vgt.f32 v50, v18  }
0x65: {  	v53 =	vadd.s32 v47, v57;
	v60 =	vadd.s32 v58, v52;
	v61 =	vsel vm0, $0x1, v17  }
0x66: {  	s0 =	simm.s32 $0x10900;
	v50 =	vadd.s32 v61, v60  }
0x67: {  	v62 =	vadd.s32 v46, v57;
	[tilespmem:s0+$0x0] =	vst v50  }
0x68: {  	v50 =	vld.idx.msk [tilespmem:v51+s13+$0x0], $0xffff;
	v51 =	vadd.s32 v45, v57  }
0x69: {  	v63 =	vld.idx.msk [tilespmem:v59+s13+$0x0], $0xffff  }
0x6a: {  	v60 =	vadd.s32 v43, v57;
	v53 =	vld.idx.msk [tilespmem:v53+s13+$0x0], $0xffff  }
0x6b: {  	v61 =	vadd.s32 v42, v57  }
0x6c: {  	v52 =	vld.idx.msk [tilespmem:v62+s13+$0x0], $0xffff;
	v62 =	vadd.s32 v41, v57  }
0x6d: {  	v59 =	vadd.s32 v40, v57;
	v51 =	vld.idx.msk [tilespmem:v51+s13+$0x0], $0xffff  }
0x6e: {  	v55 =	vadd.s32 v36, v57;
	vm0 =	vgt.f32 v50, v34;
	vm1 =	vgt.f32 v63, v35  }
0x6f: {  	v50 =	vld.idx.msk [tilespmem:v60+s13+$0x0], $0xffff;
	v63 =	vsel vm0, $0x8000, v17;
	vm0 =	vgt.f32 v53, v32;
	v53 =	vadd.s32 v37, v57  }
0x70: {  	v56 =	vld.idx.msk [tilespmem:v61+s13+$0x0], $0xffff;
	v60 =	vsel vm1, $0x4000, v17  }
0x71: {  	vm1 =	vgt.f32 v52, v30;
	v58 =	vld.idx.msk [tilespmem:v62+s13+$0x0], $0xffff;
	v54 =	vor.u32 v63, v60;
	v61 =	vsel vm0, $0x2000, v17  }
0x72: {  	v59 =	vld.idx.msk [tilespmem:v59+s13+$0x0], $0xffff;
	v62 =	vsel vm1, $0x1000, v17;
	v52 =	vor.u32 v61, v54;
	vm0 =	vgt.f32 v51, v29  }
0x73: {  	v55 =	vld.idx.msk [tilespmem:v55+s13+$0x0], $0xffff;
	v63 =	vadd.s32 v33, v57;
	v52 =	vor.u32 v62, v52;
	v60 =	vsel vm0, $0x800, v17  }
0x74: {  	v54 =	vadd.s32 v31, v57;
	vm1 =	vgt.f32 v50, v28;
	v50 =	vor.u32 v60, v52;
	v52 =	vld.idx.msk [tilespmem:v53+s13+$0x0], $0xffff  }
0x75: {  	vm0 =	vgt.f32 v56, v27;
	v61 =	vsel vm1, $0x400, v17;
	v56 =	vadd.s32 v38, v57  }
0x76: {  	v62 =	vsel vm0, $0x200, v17;
	vm0 =	vgt.f32 v58, v26;
	v58 =	vadd.s32 v39, v57  }
0x77: {  	vm1 =	vgt.f32 v59, v25;
	v57 =	vadd.s32 v44, v57;
	v50 =	vor.u32 v61, v50  }
0x78: {  	v51 =	vld.idx.msk [tilespmem:v63+s13+$0x0], $0xffff;
	v60 =	vsel vm1, $0x80, v17;
	v63 =	vsel vm0, $0x100, v17;
	v50 =	vor.u32 v62, v50  }
0x79: {  	s4 =	simm.s32 $0x20;
	vm1 =	vgt.f32 v55, v23;
	v59 =	vld.idx.msk [tilespmem:v54+s13+$0x0], $0xffff;
	v50 =	vadd.s32 v63, v50;
	vm0 =	vgt.f32 v52, v24  }
0x7a: {  	v62 =	vmov s4;
	v61 =	vadd.s32 v60, v50;
	v53 =	vld.idx.msk [tilespmem:v56+s13+$0x0], $0xffff;
	v63 =	vsel vm0, $0x40, v17  }
0x7b: {  	v55 =	vsel vm1, $0x20, v17;
	v50 =	vshll.u32 v62, $0x7;
	v54 =	vld.idx.msk [tilespmem:v58+s13+$0x0], $0xffff;
	v52 =	vadd.s32 v63, v61  }
0x7c: {  	v50 =	vor.u32 v0, v50;
	v56 =	vadd.s32 v55, v52;
	v55 =	vld.idx.msk [tilespmem:v57+s13+$0x0], $0xffff  }
0x7d: {  	vm1 =	vgt.f32 v51, v22;
	v51 =	vadd.s32 v48, v50  }
0x7e: {  	s4 =	simm.s32 $0x30;
	vm0 =	vgt.f32 v59, v21;
	v52 =	vadd.s32 v49, v50;
	v57 =	vsel vm1, $0x10, v17  }
.LBB2_4:
0x7f: {  	p0 =	sne.s32 s4, $0x70;
	v56 =	vadd.s32 v57, v56;
	v57 =	vsel vm0, $0x8, v17;
	vm0 =	vgt.f32 v53, v20  }
0x80: {  	v53 =	vadd.s32 v57, v56;
	v56 =	vsel vm0, $0x4, v17;
	vm0 =	vgt.f32 v54, v19  }
0x81: {  	v53 =	vadd.s32 v56, v53;
	v54 =	vsel vm0, $0x2, v17;
	vm0 =	vgt.f32 v55, v18  }
0x82: {  	v55 =	vadd.s32 v47, v50;
	v53 =	vadd.s32 v54, v53;
	v54 =	vsel vm0, $0x1, v17  }
0x83: {  	s0 =	sadd.s32 $0x10, s0;
	v56 =	vadd.s32 v46, v50;
	v53 =	vadd.s32 v54, v53  }
0x84: {  	v54 =	vadd.s32 v45, v50;
	[tilespmem:s0+$0x0] =	vst v53  }
0x85: {  	v53 =	vld.idx.msk [tilespmem:v51+s13+$0x0], $0xffff;
	v51 =	vadd.s32 v43, v50  }
0x86: {  	v57 =	vld.idx.msk [tilespmem:v52+s13+$0x0], $0xffff;
	v52 =	vadd.s32 v42, v50  }
0x87: {  	v58 =	vmov s4;
	v59 =	vadd.s32 v41, v50;
	v55 =	vld.idx.msk [tilespmem:v55+s13+$0x0], $0xffff  }
0x88: {  	v60 =	vadd.s32 v40, v50;
	v58 =	vshll.u32 v58, $0x7;
	v56 =	vld.idx.msk [tilespmem:v56+s13+$0x0], $0xffff  }
0x89: {  	v61 =	vadd.s32 v37, v50;
	v62 =	vadd.s32 v44, v50;
	v58 =	vor.u32 v0, v58;
	v54 =	vld.idx.msk [tilespmem:v54+s13+$0x0], $0xffff  }
0x8a: {  	v1 =	vadd.s32 v36, v50;
	v2 =	vadd.s32 v38, v50;
	v3 =	vadd.s32 v39, v50;
	v63 =	vld.idx.msk [tilespmem:v51+s13+$0x0], $0xffff  }
0x8b: {  	v5 =	vadd.s32 v33, v50;
	v6 =	vadd.s32 v31, v50;
	v51 =	vadd.s32 v48, v58;
	v4 =	vld.idx.msk [tilespmem:v52+s13+$0x0], $0xffff  }
0x8c: {  	vm0 =	vgt.f32 v53, v34;
	v52 =	vadd.s32 v49, v58;
	vm1 =	vgt.f32 v57, v35;
	v53 =	vld.idx.msk [tilespmem:v59+s13+$0x0], $0xffff  }
0x8d: {  	v50 =	vmovc v58;
	v57 =	vsel vm0, $0x8000, v17;
	v59 =	vsel vm1, $0x4000, v17;
	vm0 =	vgt.f32 v55, v32;
	v55 =	vld.idx.msk [tilespmem:v60+s13+$0x0], $0xffff  }
0x8e: {  	v57 =	vor.u32 v57, v59;
	v58 =	vsel vm0, $0x2000, v17;
	vm0 =	vgt.f32 v56, v30;
	v56 =	vld.idx.msk [tilespmem:v61+s13+$0x0], $0xffff  }
0x8f: {  	v57 =	vor.u32 v58, v57;
	v58 =	vsel vm0, $0x1000, v17;
	vm0 =	vgt.f32 v54, v29;
	v1 =	vld.idx.msk [tilespmem:v1+s13+$0x0], $0xffff  }
0x90: {  	v54 =	vor.u32 v58, v57;
	v57 =	vsel vm0, $0x800, v17;
	vm0 =	vgt.f32 v63, v28;
	v5 =	vld.idx.msk [tilespmem:v5+s13+$0x0], $0xffff  }
0x91: {  	v54 =	vor.u32 v57, v54;
	v57 =	vsel vm0, $0x400, v17;
	vm0 =	vgt.f32 v4, v27;
	v4 =	vld.idx.msk [tilespmem:v6+s13+$0x0], $0xffff  }
0x92: {  	v6 =	vor.u32 v57, v54;
	v54 =	vsel vm0, $0x200, v17;
	vm0 =	vgt.f32 v53, v26;
	v53 =	vld.idx.msk [tilespmem:v2+s13+$0x0], $0xffff  }
.Ltmp1:
0x93: {  	v2 =	vor.u32 v54, v6;
	v6 =	vsel vm0, $0x100, v17;
	vm0 =	vgt.f32 v55, v25;
	v54 =	vld.idx.msk [tilespmem:v3+s13+$0x0], $0xffff;
	(pc) =	sbr.rel @p0 .LBB2_4-.Ltmp1, $4  }
0x94: {  	v2 =	vadd.s32 v6, v2;
	v3 =	vsel vm0, $0x80, v17;
	vm0 =	vgt.f32 v56, v24;
	v55 =	vld.idx.msk [tilespmem:v62+s13+$0x0], $0xffff  }
0x95: {  	v2 =	vadd.s32 v3, v2;
	v3 =	vsel vm0, $0x40, v17;
	vm0 =	vgt.f32 v1, v23  }
0x96: {  	v1 =	vadd.s32 v3, v2;
	v2 =	vsel vm0, $0x20, v17;
	vm0 =	vgt.f32 v5, v22  }
0x97: {  	s4 =	sadd.s32 $0x10, s4;
	v56 =	vadd.s32 v2, v1;
	v57 =	vsel vm0, $0x10, v17;
	vm0 =	vgt.f32 v4, v21  }
0x98: {  	v1 =	vadd.s32 v57, v56;
	v2 =	vsel vm0, $0x8, v17;
	vm0 =	vgt.f32 v53, v20  }
0x99: {  	v1 =	vadd.s32 v2, v1;
	v2 =	vsel vm0, $0x4, v17;
	vm0 =	vgt.f32 v54, v19  }
0x9a: {  	v1 =	vadd.s32 v2, v1;
	v2 =	vsel vm0, $0x2, v17;
	vm0 =	vgt.f32 v55, v18  }
0x9b: {  	v3 =	vadd.s32 v47, v50;
	v1 =	vadd.s32 v2, v1;
	v2 =	vsel vm0, $0x1, v17  }
0x9c: {  	v4 =	vadd.s32 v46, v50;
	s0 =	sadd.s32 $0x10, s0;
	v1 =	vadd.s32 v2, v1  }
0x9d: {  	v2 =	vadd.s32 v45, v50;
	[tilespmem:s0+$0x0] =	vst v1  }
0x9e: {  	v5 =	vadd.s32 v43, v50;
	v1 =	vld.idx.msk [tilespmem:v51+s13+$0x0], $0xffff  }
0x9f: {  	v6 =	vld.idx.msk [tilespmem:v52+s13+$0x0], $0xffff;
	v51 =	vadd.s32 v42, v50  }
0xa0: {  	v60 =	vadd.s32 v41, v50;
	v3 =	vld.idx.msk [tilespmem:v3+s13+$0x0], $0xffff  }
0xa1: {  	v61 =	vadd.s32 v40, v50;
	v4 =	vld.idx.msk [tilespmem:v4+s13+$0x0], $0xffff  }
0xa2: {  	v62 =	vadd.s32 v37, v50;
	v63 =	vadd.s32 v36, v50;
	v57 =	vadd.s32 v38, v50;
	v2 =	vld.idx.msk [tilespmem:v2+s13+$0x0], $0xffff  }
0xa3: {  	v58 =	vadd.s32 v39, v50;
	v59 =	vadd.s32 v33, v50;
	v55 =	vadd.s32 v44, v50;
	v5 =	vld.idx.msk [tilespmem:v5+s13+$0x0], $0xffff  }
0xa4: {  	v50 =	vadd.s32 v31, v50;
	v51 =	vld.idx.msk [tilespmem:v51+s13+$0x0], $0xffff;
	vm0 =	vgt.f32 v1, v34;
	vm1 =	vgt.f32 v6, v35  }
0xa5: {  	v1 =	vld.idx.msk [tilespmem:v60+s13+$0x0], $0xffff;
	v6 =	vsel vm0, $0x8000, v17;
	v60 =	vsel vm1, $0x4000, v17;
	vm0 =	vgt.f32 v3, v32  }
0xa6: {  	v3 =	vld.idx.msk [tilespmem:v61+s13+$0x0], $0xffff;
	v6 =	vor.u32 v6, v60;
	v61 =	vsel vm0, $0x2000, v17;
	vm0 =	vgt.f32 v4, v30  }
0xa7: {  	v4 =	vld.idx.msk [tilespmem:v62+s13+$0x0], $0xffff;
	v6 =	vor.u32 v61, v6;
	v62 =	vsel vm0, $0x1000, v17;
	vm0 =	vgt.f32 v2, v29  }
0xa8: {  	v2 =	vld.idx.msk [tilespmem:v63+s13+$0x0], $0xffff;
	v6 =	vor.u32 v62, v6;
	v63 =	vsel vm0, $0x800, v17;
	vm0 =	vgt.f32 v5, v28  }
0xa9: {  	v5 =	vld.idx.msk [tilespmem:v59+s13+$0x0], $0xffff;
	v6 =	vor.u32 v63, v6;
	v56 =	vsel vm0, $0x400, v17;
	vm0 =	vgt.f32 v51, v27  }
0xaa: {  	v6 =	vor.u32 v56, v6;
	v51 =	vsel vm0, $0x200, v17;
	vm0 =	vgt.f32 v1, v26  }
0xab: {  	v1 =	vld.idx.msk [tilespmem:v50+s13+$0x0], $0xffff;
	v6 =	vor.u32 v51, v6;
	v59 =	vsel vm0, $0x100, v17;
	vm0 =	vgt.f32 v3, v25  }
0xac: {  	v3 =	vld.idx.msk [tilespmem:v57+s13+$0x0], $0xffff;
	v6 =	vadd.s32 v59, v6;
	v60 =	vsel vm0, $0x80, v17;
	vm0 =	vgt.f32 v4, v24  }
0xad: {  	v4 =	vadd.s32 v60, v6;
	v6 =	vsel vm0, $0x40, v17;
	vm0 =	vgt.f32 v2, v23  }
0xae: {  	v2 =	vld.idx.msk [tilespmem:v58+s13+$0x0], $0xffff;
	v4 =	vadd.s32 v6, v4;
	v6 =	vsel vm0, $0x20, v17;
	vm0 =	vgt.f32 v5, v22  }
0xaf: {  	v5 =	vld.idx.msk [tilespmem:v55+s13+$0x0], $0xffff;
	v4 =	vadd.s32 v6, v4;
	v6 =	vsel vm0, $0x10, v17  }
0xb0: {  	s1 =	simm.s32 $0x80;
	vm0 =	vgt.f32 v1, v21;
	v1 =	vadd.s32 v6, v4  }
0xb1: {  	v4 =	vsel vm0, $0x8, v17;
	vm0 =	vgt.f32 v3, v20;
	v3 =	vmov s1  }
0xb2: {  	v1 =	vadd.s32 v4, v1;
	v4 =	vsel vm0, $0x4, v17;
	v3 =	vshll.u32 v3, $0x7  }
0xb3: {  	vm0 =	vgt.f32 v2, v19;
	v1 =	vadd.s32 v4, v1;
	v2 =	vor.u32 v0, v3  }
0xb4: {  	v3 =	vsel vm0, $0x2, v17;
	vm0 =	vgt.f32 v5, v18;
	v4 =	vadd.s32 v48, v2  }
0xb5: {  	v5 =	vadd.s32 v49, v2;
	v1 =	vadd.s32 v3, v1;
	v3 =	vsel vm0, $0x1, v17  }
0xb6: {  	s0 =	sadd.s32 $0x10, s0;
	v1 =	vadd.s32 v3, v1;
	v3 =	vadd.s32 v47, v2  }
0xb7: {  	[tilespmem:s0+$0x0] =	vst v1;
	v1 =	vadd.s32 v46, v2  }
0xb8: {  	v6 =	vadd.s32 v45, v2;
	[tilespmem:s21], [sflag:$0x3] =	stream.indirect.gather [hbm4b:s3+s1], $0x80, s20, s1, $0xb8;
	[tilespmem:$0x18A00] =	vst v63  }
0xb9: {  	v61 =	vadd.s32 v43, v2;
	v4 =	vld.idx.msk [tilespmem:v4+s13+$0x0], $0xffff  }
0xba: {  	v51 =	vadd.s32 v42, v2;
	v53 =	vadd.s32 v41, v2;
	s1 =	simm.s32 $0x90;
	v5 =	vld.idx.msk [tilespmem:v5+s13+$0x0], $0xffff  }
0xbb: {  	v54 =	vadd.s32 v40, v2;
	v55 =	vadd.s32 v37, v2;
	v62 =	vmov s1;
	v3 =	vld.idx.msk [tilespmem:v3+s13+$0x0], $0xffff  }
0xbc: {  	v56 =	vadd.s32 v44, v2;
	v57 =	vadd.s32 v36, v2;
	v52 =	vshll.u32 v62, $0x7;
	v1 =	vld.idx.msk [tilespmem:v1+s13+$0x0], $0xffff  }
0xbd: {  	v58 =	vadd.s32 v38, v2;
	v59 =	vadd.s32 v39, v2;
	v6 =	vld.idx.msk [tilespmem:v6+s13+$0x0], $0xffff;
	v52 =	vor.u32 v0, v52  }
0xbe: {  	v50 =	vld.idx.msk [tilespmem:v61+s13+$0x0], $0xffff;
	v61 =	vadd.s32 v33, v2;
	v2 =	vadd.s32 v31, v2;
	v60 =	vadd.s32 v48, v52  }
0xbf: {  	v51 =	vld.idx.msk [tilespmem:v51+s13+$0x0], $0xffff;
	v62 =	vadd.s32 v49, v52;
	vm0 =	vgt.f32 v4, v34;
	vm1 =	vgt.f32 v5, v35  }
0xc0: {  	v4 =	vld.idx.msk [tilespmem:v53+s13+$0x0], $0xffff;
	v5 =	vsel vm0, $0x8000, v17;
	v63 =	vsel vm1, $0x4000, v17;
	vm0 =	vgt.f32 v3, v32  }
0xc1: {  	v3 =	vld.idx.msk [tilespmem:v54+s13+$0x0], $0xffff;
	v5 =	vor.u32 v5, v63;
	v63 =	vsel vm0, $0x2000, v17;
	vm0 =	vgt.f32 v1, v30  }
0xc2: {  	v1 =	vld.idx.msk [tilespmem:v55+s13+$0x0], $0xffff;
	v5 =	vor.u32 v63, v5;
	v63 =	vsel vm0, $0x1000, v17;
	vm0 =	vgt.f32 v6, v29  }
0xc3: {  	v6 =	vld.idx.msk [tilespmem:v57+s13+$0x0], $0xffff;
	v5 =	vor.u32 v63, v5;
	v57 =	vsel vm0, $0x800, v17;
	vm0 =	vgt.f32 v50, v28  }
0xc4: {  	v63 =	vld.idx.msk [tilespmem:v61+s13+$0x0], $0xffff;
	v5 =	vor.u32 v57, v5;
	v57 =	vsel vm0, $0x400, v17;
	vm0 =	vgt.f32 v51, v27  }
0xc5: {  	v2 =	vld.idx.msk [tilespmem:v2+s13+$0x0], $0xffff;
	v5 =	vor.u32 v57, v5;
	v51 =	vsel vm0, $0x200, v17;
	vm0 =	vgt.f32 v4, v26  }
0xc6: {  	v4 =	vld.idx.msk [tilespmem:v58+s13+$0x0], $0xffff;
	v5 =	vor.u32 v51, v5;
	v58 =	vsel vm0, $0x100, v17;
	vm0 =	vgt.f32 v3, v25  }
0xc7: {  	v3 =	vld.idx.msk [tilespmem:v59+s13+$0x0], $0xffff;
	v5 =	vadd.s32 v58, v5;
	v59 =	vsel vm0, $0x80, v17;
	vm0 =	vgt.f32 v1, v24  }
0xc8: {  	v1 =	vld.idx.msk [tilespmem:v56+s13+$0x0], $0xffff;
	v5 =	vadd.s32 v59, v5;
	v61 =	vsel vm0, $0x40, v17;
	vm0 =	vgt.f32 v6, v23  }
0xc9: {  	v5 =	vadd.s32 v61, v5;
	v6 =	vsel vm0, $0x20, v17;
	vm0 =	vgt.f32 v63, v22  }
0xca: {  	v5 =	vadd.s32 v6, v5;
	v6 =	vsel vm0, $0x10, v17;
	vm0 =	vgt.f32 v2, v21  }
0xcb: {  	v2 =	vadd.s32 v6, v5;
	v5 =	vsel vm0, $0x8, v17;
	vm0 =	vgt.f32 v4, v20  }
0xcc: {  	v2 =	vadd.s32 v5, v2;
	v4 =	vsel vm0, $0x4, v17;
	vm0 =	vgt.f32 v3, v19  }
0xcd: {  	v2 =	vadd.s32 v4, v2;
	v3 =	vsel vm0, $0x2, v17;
	vm0 =	vgt.f32 v1, v18  }
0xce: {  	v1 =	vadd.s32 v47, v52;
	v2 =	vadd.s32 v3, v2;
	v3 =	vsel vm0, $0x1, v17  }
0xcf: {  	s0 =	simm.s32 $0x10980;
	v4 =	vadd.s32 v46, v52;
	v2 =	vadd.s32 v3, v2  }
0xd0: {  	v3 =	vadd.s32 v45, v52;
	[tilespmem:s0+$0x0] =	vst v2  }
0xd1: {  	v5 =	vadd.s32 v43, v52;
	v2 =	vld.idx.msk [tilespmem:v60+s13+$0x0], $0xffff  }
0xd2: {  	s4 =	simm.s32 $0xA0;
	v53 =	vadd.s32 v42, v52;
	v54 =	vadd.s32 v41, v52;
	v6 =	vld.idx.msk [tilespmem:v62+s13+$0x0], $0xffff  }
0xd3: {  	v55 =	vadd.s32 v40, v52;
	v57 =	vadd.s32 v44, v52;
	v62 =	vmov s4;
	v1 =	vld.idx.msk [tilespmem:v1+s13+$0x0], $0xffff  }
0xd4: {  	v56 =	vadd.s32 v37, v52;
	v58 =	vadd.s32 v36, v52;
	v50 =	vshll.u32 v62, $0x7;
	v4 =	vld.idx.msk [tilespmem:v4+s13+$0x0], $0xffff  }
0xd5: {  	v59 =	vadd.s32 v38, v52;
	v61 =	vadd.s32 v33, v52;
	v50 =	vor.u32 v0, v50;
	v3 =	vld.idx.msk [tilespmem:v3+s13+$0x0], $0xffff  }
0xd6: {  	v60 =	vadd.s32 v39, v52;
	v5 =	vld.idx.msk [tilespmem:v5+s13+$0x0], $0xffff;
	v62 =	vadd.s32 v31, v52;
	v51 =	vadd.s32 v48, v50  }
0xd7: {  	v53 =	vld.idx.msk [tilespmem:v53+s13+$0x0], $0xffff;
	v52 =	vadd.s32 v49, v50;
	vm0 =	vgt.f32 v2, v34;
	vm1 =	vgt.f32 v6, v35  }
0xd8: {  	v2 =	vld.idx.msk [tilespmem:v54+s13+$0x0], $0xffff;
	v6 =	vsel vm0, $0x8000, v17;
	v63 =	vsel vm1, $0x4000, v17;
	vm0 =	vgt.f32 v1, v32  }
0xd9: {  	v1 =	vld.idx.msk [tilespmem:v55+s13+$0x0], $0xffff;
	v6 =	vor.u32 v6, v63;
	v63 =	vsel vm0, $0x2000, v17;
	vm0 =	vgt.f32 v4, v30  }
0xda: {  	v4 =	vld.idx.msk [tilespmem:v56+s13+$0x0], $0xffff;
	v6 =	vor.u32 v63, v6;
	v63 =	vsel vm0, $0x1000, v17;
	vm0 =	vgt.f32 v3, v29  }
0xdb: {  	v3 =	vld.idx.msk [tilespmem:v58+s13+$0x0], $0xffff;
	v6 =	vor.u32 v63, v6;
	v58 =	vsel vm0, $0x800, v17;
	vm0 =	vgt.f32 v5, v28  }
0xdc: {  	v5 =	vld.idx.msk [tilespmem:v61+s13+$0x0], $0xffff;
	v6 =	vor.u32 v58, v6;
	v61 =	vsel vm0, $0x400, v17;
	vm0 =	vgt.f32 v53, v27  }
0xdd: {  	v63 =	vld.idx.msk [tilespmem:v62+s13+$0x0], $0xffff;
	v6 =	vor.u32 v61, v6;
	v53 =	vsel vm0, $0x200, v17;
	vm0 =	vgt.f32 v2, v26  }
0xde: {  	v2 =	vor.u32 v53, v6;
	v6 =	vsel vm0, $0x100, v17;
	vm0 =	vgt.f32 v1, v25;
	v53 =	vld.idx.msk [tilespmem:v59+s13+$0x0], $0xffff  }
0xdf: {  	v54 =	vld.idx.msk [tilespmem:v60+s13+$0x0], $0xffff;
	v1 =	vadd.s32 v6, v2;
	v2 =	vsel vm0, $0x80, v17;
	vm0 =	vgt.f32 v4, v24  }
0xe0: {  	v55 =	vld.idx.msk [tilespmem:v57+s13+$0x0], $0xffff;
	v1 =	vadd.s32 v2, v1;
	v2 =	vsel vm0, $0x40, v17;
	vm0 =	vgt.f32 v3, v23  }
0xe1: {  	v1 =	vadd.s32 v2, v1;
	v2 =	vsel vm0, $0x20, v17;
	vm0 =	vgt.f32 v5, v22  }
0xe2: {  	s4 =	simm.s32 $0xB0;
	v56 =	vadd.s32 v2, v1;
	v57 =	vsel vm0, $0x10, v17;
	vm0 =	vgt.f32 v63, v21  }
.LBB2_6:
0xe3: {  	p0 =	sne.s32 s4, $0xF0;
	v1 =	vadd.s32 v57, v56;
	v2 =	vsel vm0, $0x8, v17;
	vm0 =	vgt.f32 v53, v20  }
0xe4: {  	v1 =	vadd.s32 v2, v1;
	v2 =	vsel vm0, $0x4, v17;
	vm0 =	vgt.f32 v54, v19  }
0xe5: {  	v1 =	vadd.s32 v2, v1;
	v2 =	vsel vm0, $0x2, v17;
	vm0 =	vgt.f32 v55, v18  }
0xe6: {  	v3 =	vadd.s32 v47, v50;
	v1 =	vadd.s32 v2, v1;
	v2 =	vsel vm0, $0x1, v17  }
0xe7: {  	v4 =	vadd.s32 v46, v50;
	s0 =	sadd.s32 $0x10, s0;
	v1 =	vadd.s32 v2, v1  }
0xe8: {  	v2 =	vadd.s32 v45, v50;
	[tilespmem:s0+$0x0] =	vst v1  }
0xe9: {  	v5 =	vadd.s32 v43, v50;
	v1 =	vld.idx.msk [tilespmem:v51+s13+$0x0], $0xffff  }
0xea: {  	v6 =	vld.idx.msk [tilespmem:v52+s13+$0x0], $0xffff;
	v52 =	vadd.s32 v42, v50  }
0xeb: {  	v53 =	vadd.s32 v41, v50;
	v51 =	vmov s4;
	v3 =	vld.idx.msk [tilespmem:v3+s13+$0x0], $0xffff  }
0xec: {  	v54 =	vadd.s32 v40, v50;
	v51 =	vshll.u32 v51, $0x7;
	v4 =	vld.idx.msk [tilespmem:v4+s13+$0x0], $0xffff  }
0xed: {  	v56 =	vadd.s32 v37, v50;
	v57 =	vadd.s32 v44, v50;
	v55 =	vor.u32 v0, v51;
	v2 =	vld.idx.msk [tilespmem:v2+s13+$0x0], $0xffff  }
0xee: {  	v58 =	vadd.s32 v36, v50;
	v59 =	vadd.s32 v38, v50;
	v60 =	vadd.s32 v39, v50;
	v5 =	vld.idx.msk [tilespmem:v5+s13+$0x0], $0xffff  }
0xef: {  	v62 =	vadd.s32 v33, v50;
	v63 =	vadd.s32 v31, v50;
	v51 =	vadd.s32 v48, v55;
	v61 =	vld.idx.msk [tilespmem:v52+s13+$0x0], $0xffff  }
0xf0: {  	vm0 =	vgt.f32 v1, v34;
	v52 =	vadd.s32 v49, v55;
	vm1 =	vgt.f32 v6, v35;
	v1 =	vld.idx.msk [tilespmem:v53+s13+$0x0], $0xffff  }
0xf1: {  	v50 =	vmovc v55;
	v6 =	vsel vm0, $0x8000, v17;
	v53 =	vsel vm1, $0x4000, v17;
	vm0 =	vgt.f32 v3, v32;
	v3 =	vld.idx.msk [tilespmem:v54+s13+$0x0], $0xffff  }
0xf2: {  	v6 =	vor.u32 v6, v53;
	v53 =	vsel vm0, $0x2000, v17;
	vm0 =	vgt.f32 v4, v30;
	v4 =	vld.idx.msk [tilespmem:v56+s13+$0x0], $0xffff  }
0xf3: {  	v6 =	vor.u32 v53, v6;
	v53 =	vsel vm0, $0x1000, v17;
	vm0 =	vgt.f32 v2, v29;
	v2 =	vld.idx.msk [tilespmem:v58+s13+$0x0], $0xffff  }
0xf4: {  	v6 =	vor.u32 v53, v6;
	v53 =	vsel vm0, $0x800, v17;
	vm0 =	vgt.f32 v5, v28;
	v5 =	vld.idx.msk [tilespmem:v62+s13+$0x0], $0xffff  }
0xf5: {  	v6 =	vor.u32 v53, v6;
	v53 =	vsel vm0, $0x400, v17;
	vm0 =	vgt.f32 v61, v27;
	v58 =	vld.idx.msk [tilespmem:v63+s13+$0x0], $0xffff  }
0xf6: {  	v6 =	vor.u32 v53, v6;
	v54 =	vsel vm0, $0x200, v17;
	vm0 =	vgt.f32 v1, v26;
	v53 =	vld.idx.msk [tilespmem:v59+s13+$0x0], $0xffff  }
.Ltmp2:
0xf7: {  	v1 =	vor.u32 v54, v6;
	v6 =	vsel vm0, $0x100, v17;
	vm0 =	vgt.f32 v3, v25;
	v54 =	vld.idx.msk [tilespmem:v60+s13+$0x0], $0xffff;
	(pc) =	sbr.rel @p0 .LBB2_6-.Ltmp2, $4  }
0xf8: {  	v1 =	vadd.s32 v6, v1;
	v3 =	vsel vm0, $0x80, v17;
	vm0 =	vgt.f32 v4, v24;
	v55 =	vld.idx.msk [tilespmem:v57+s13+$0x0], $0xffff  }
0xf9: {  	v1 =	vadd.s32 v3, v1;
	v3 =	vsel vm0, $0x40, v17;
	vm0 =	vgt.f32 v2, v23  }
0xfa: {  	v1 =	vadd.s32 v3, v1;
	v2 =	vsel vm0, $0x20, v17;
	vm0 =	vgt.f32 v5, v22  }
0xfb: {  	s4 =	sadd.s32 $0x10, s4;
	v56 =	vadd.s32 v2, v1;
	v57 =	vsel vm0, $0x10, v17;
	vm0 =	vgt.f32 v58, v21  }
0xfc: {  	v1 =	vadd.s32 v57, v56;
	v2 =	vsel vm0, $0x8, v17;
	vm0 =	vgt.f32 v53, v20  }
0xfd: {  	v1 =	vadd.s32 v2, v1;
	v2 =	vsel vm0, $0x4, v17;
	vm0 =	vgt.f32 v54, v19  }
0xfe: {  	v1 =	vadd.s32 v2, v1;
	v2 =	vsel vm0, $0x2, v17;
	vm0 =	vgt.f32 v55, v18  }
0xff: {  	v3 =	vadd.s32 v47, v50;
	v1 =	vadd.s32 v2, v1;
	v2 =	vsel vm0, $0x1, v17  }
0x100: {  	v4 =	vadd.s32 v46, v50;
	s0 =	sadd.s32 $0x10, s0;
	v1 =	vadd.s32 v2, v1  }
0x101: {  	v2 =	vadd.s32 v45, v50;
	[tilespmem:s0+$0x0] =	vst v1  }
0x102: {  	v5 =	vadd.s32 v43, v50;
	v1 =	vld.idx.msk [tilespmem:v51+s13+$0x0], $0xffff  }
0x103: {  	v6 =	vld.idx.msk [tilespmem:v52+s13+$0x0], $0xffff;
	v51 =	vadd.s32 v42, v50  }
0x104: {  	v60 =	vadd.s32 v41, v50;
	v3 =	vld.idx.msk [tilespmem:v3+s13+$0x0], $0xffff  }
0x105: {  	v61 =	vadd.s32 v40, v50;
	v4 =	vld.idx.msk [tilespmem:v4+s13+$0x0], $0xffff  }
0x106: {  	v62 =	vadd.s32 v37, v50;
	v63 =	vadd.s32 v36, v50;
	v57 =	vadd.s32 v38, v50;
	v2 =	vld.idx.msk [tilespmem:v2+s13+$0x0], $0xffff  }
0x107: {  	v58 =	vadd.s32 v39, v50;
	v59 =	vadd.s32 v33, v50;
	v55 =	vadd.s32 v44, v50;
	v5 =	vld.idx.msk [tilespmem:v5+s13+$0x0], $0xffff  }
0x108: {  	v50 =	vadd.s32 v31, v50;
	v51 =	vld.idx.msk [tilespmem:v51+s13+$0x0], $0xffff;
	vm0 =	vgt.f32 v1, v34;
	vm1 =	vgt.f32 v6, v35  }
0x109: {  	v1 =	vld.idx.msk [tilespmem:v60+s13+$0x0], $0xffff;
	v6 =	vsel vm0, $0x8000, v17;
	v60 =	vsel vm1, $0x4000, v17;
	vm0 =	vgt.f32 v3, v32  }
0x10a: {  	v3 =	vld.idx.msk [tilespmem:v61+s13+$0x0], $0xffff;
	v6 =	vor.u32 v6, v60;
	v61 =	vsel vm0, $0x2000, v17;
	vm0 =	vgt.f32 v4, v30  }
0x10b: {  	v4 =	vld.idx.msk [tilespmem:v62+s13+$0x0], $0xffff;
	v6 =	vor.u32 v61, v6;
	v62 =	vsel vm0, $0x1000, v17;
	vm0 =	vgt.f32 v2, v29  }
0x10c: {  	v2 =	vld.idx.msk [tilespmem:v63+s13+$0x0], $0xffff;
	v6 =	vor.u32 v62, v6;
	v63 =	vsel vm0, $0x800, v17;
	vm0 =	vgt.f32 v5, v28  }
0x10d: {  	v5 =	vld.idx.msk [tilespmem:v59+s13+$0x0], $0xffff;
	v6 =	vor.u32 v63, v6;
	v56 =	vsel vm0, $0x400, v17;
	vm0 =	vgt.f32 v51, v27  }
0x10e: {  	v50 =	vld.idx.msk [tilespmem:v50+s13+$0x0], $0xffff;
	v6 =	vor.u32 v56, v6;
	v51 =	vsel vm0, $0x200, v17;
	vm0 =	vgt.f32 v1, v26  }
0x10f: {  	v1 =	vld.idx.msk [tilespmem:v57+s13+$0x0], $0xffff;
	v6 =	vor.u32 v51, v6;
	v57 =	vsel vm0, $0x100, v17;
	vm0 =	vgt.f32 v3, v25  }
0x110: {  	v3 =	vld.idx.msk [tilespmem:v58+s13+$0x0], $0xffff;
	v6 =	vadd.s32 v57, v6;
	v59 =	vsel vm0, $0x80, v17;
	vm0 =	vgt.f32 v4, v24  }
0x111: {  	v4 =	vld.idx.msk [tilespmem:v55+s13+$0x0], $0xffff;
	v6 =	vadd.s32 v59, v6;
	v60 =	vsel vm0, $0x40, v17;
	vm0 =	vgt.f32 v2, v23  }
0x112: {  	v2 =	vadd.s32 v60, v6;
	v6 =	vsel vm0, $0x20, v17;
	vm0 =	vgt.f32 v5, v22  }
0x113: {  	v2 =	vadd.s32 v6, v2;
	v5 =	vsel vm0, $0x10, v17;
	vm0 =	vgt.f32 v50, v21  }
0x114: {  	v2 =	vadd.s32 v5, v2;
	v5 =	vsel vm0, $0x8, v17;
	vm0 =	vgt.f32 v1, v20  }
0x115: {  	v1 =	vadd.s32 v5, v2;
	v2 =	vsel vm0, $0x4, v17;
	vm0 =	vgt.f32 v3, v19  }
0x116: {  	v1 =	vadd.s32 v2, v1;
	v2 =	vsel vm0, $0x2, v17;
	vm0 =	vgt.f32 v4, v18  }
0x117: {  	v1 =	vadd.s32 v2, v1;
	v2 =	vsel vm0, $0x1, v17  }
0x118: {  	s0 =	sadd.s32 $0x10, s0;
	v1 =	vadd.s32 v2, v1  }
0x119: {  	s1 =	simm.s32 $0x100;
	[tilespmem:s0+$0x0] =	vst v1  }
0x11a: {  	v1 =	vmov s1;
	[tilespmem:s24], [sflag:$0x4] =	stream.indirect.gather [hbm4b:s3+s22], $0x80, s23, s22, $0xb8;
	[tilespmem:$0x18A00] =	vst v63  }
0x11b: {  	v1 =	vshll.u32 v1, $0x7;
	_ =	swait.ge [sflag:s25], $0x4000  }
0x11c: {  	v1 =	vor.u32 v0, v1;
	[sflag:s25] =	ssyncset.done $0x0  }
0x11d: {  	v2 =	vadd.s32 v48, v1;
	[sflag:s25] =	ssyncadd.s32 $0xFFFFC000  }
0x11e: {  	v3 =	vadd.s32 v49, v1;
	[hbm4b:s6+s5] =	stream.linear.scatter [tilespmem:s21], [sflag:$0x5], $0x4000, $0x38;
	[tilespmem:$0x18A00] =	vst v63  }
0x11f: {  	v4 =	vadd.s32 v47, v1;
	_ =	swait.ge [sflag:s26], $0x8000  }
0x120: {  	v5 =	vadd.s32 v46, v1;
	[sflag:s26] =	ssyncset.done $0x0  }
0x121: {  	s4 =	simm.s32 $0x110;
	v6 =	vadd.s32 v45, v1;
	[sflag:s26] =	ssyncadd.s32 $0xFFFF8000  }
0x122: {  	v62 =	vmov s4;
	v61 =	vadd.s32 v43, v1;
	v2 =	vld.idx.msk [tilespmem:v2+s13+$0x0], $0xffff  }
0x123: {  	v52 =	vshll.u32 v62, $0x7;
	v51 =	vadd.s32 v42, v1;
	v3 =	vld.idx.msk [tilespmem:v3+s13+$0x0], $0xffff  }
0x124: {  	v52 =	vor.u32 v0, v52;
	v53 =	vadd.s32 v41, v1;
	v4 =	vld.idx.msk [tilespmem:v4+s13+$0x0], $0xffff  }
0x125: {  	v62 =	vadd.s32 v49, v52;
	v60 =	vadd.s32 v48, v52;
	v54 =	vadd.s32 v40, v1;
	v5 =	vld.idx.msk [tilespmem:v5+s13+$0x0], $0xffff  }
0x126: {  	v55 =	vadd.s32 v37, v1;
	v56 =	vadd.s32 v44, v1;
	v57 =	vadd.s32 v36, v1;
	v6 =	vld.idx.msk [tilespmem:v6+s13+$0x0], $0xffff  }
0x127: {  	v58 =	vadd.s32 v38, v1;
	v59 =	vadd.s32 v39, v1;
	v50 =	vld.idx.msk [tilespmem:v61+s13+$0x0], $0xffff;
	v61 =	vadd.s32 v33, v1  }
0x128: {  	v1 =	vadd.s32 v31, v1;
	v51 =	vld.idx.msk [tilespmem:v51+s13+$0x0], $0xffff;
	vm0 =	vgt.f32 v2, v34;
	vm1 =	vgt.f32 v3, v35  }
0x129: {  	v2 =	vld.idx.msk [tilespmem:v53+s13+$0x0], $0xffff;
	v3 =	vsel vm0, $0x8000, v17;
	v63 =	vsel vm1, $0x4000, v17;
	vm0 =	vgt.f32 v4, v32  }
0x12a: {  	v4 =	vld.idx.msk [tilespmem:v54+s13+$0x0], $0xffff;
	v3 =	vor.u32 v3, v63;
	v63 =	vsel vm0, $0x2000, v17;
	vm0 =	vgt.f32 v5, v30  }
0x12b: {  	v5 =	vld.idx.msk [tilespmem:v55+s13+$0x0], $0xffff;
	v3 =	vor.u32 v63, v3;
	v63 =	vsel vm0, $0x1000, v17;
	vm0 =	vgt.f32 v6, v29  }
0x12c: {  	v6 =	vld.idx.msk [tilespmem:v57+s13+$0x0], $0xffff;
	v3 =	vor.u32 v63, v3;
	v57 =	vsel vm0, $0x800, v17;
	vm0 =	vgt.f32 v50, v28  }
0x12d: {  	v63 =	vld.idx.msk [tilespmem:v61+s13+$0x0], $0xffff;
	v3 =	vor.u32 v57, v3;
	v57 =	vsel vm0, $0x400, v17;
	vm0 =	vgt.f32 v51, v27  }
0x12e: {  	v1 =	vld.idx.msk [tilespmem:v1+s13+$0x0], $0xffff;
	v3 =	vor.u32 v57, v3;
	v51 =	vsel vm0, $0x200, v17;
	vm0 =	vgt.f32 v2, v26  }
0x12f: {  	v2 =	vld.idx.msk [tilespmem:v58+s13+$0x0], $0xffff;
	v3 =	vor.u32 v51, v3;
	v58 =	vsel vm0, $0x100, v17;
	vm0 =	vgt.f32 v4, v25  }
0x130: {  	v4 =	vld.idx.msk [tilespmem:v59+s13+$0x0], $0xffff;
	v3 =	vadd.s32 v58, v3;
	v59 =	vsel vm0, $0x80, v17;
	vm0 =	vgt.f32 v5, v24  }
0x131: {  	v5 =	vld.idx.msk [tilespmem:v56+s13+$0x0], $0xffff;
	v3 =	vadd.s32 v59, v3;
	v61 =	vsel vm0, $0x40, v17;
	vm0 =	vgt.f32 v6, v23  }
0x132: {  	v3 =	vadd.s32 v61, v3;
	v6 =	vsel vm0, $0x20, v17;
	vm0 =	vgt.f32 v63, v22  }
0x133: {  	v3 =	vadd.s32 v6, v3;
	v6 =	vsel vm0, $0x10, v17;
	vm0 =	vgt.f32 v1, v21  }
0x134: {  	v1 =	vadd.s32 v6, v3;
	v3 =	vsel vm0, $0x8, v17;
	vm0 =	vgt.f32 v2, v20  }
0x135: {  	v1 =	vadd.s32 v3, v1;
	v2 =	vsel vm0, $0x4, v17;
	vm0 =	vgt.f32 v4, v19  }
0x136: {  	v1 =	vadd.s32 v2, v1;
	v2 =	vsel vm0, $0x2, v17;
	vm0 =	vgt.f32 v5, v18  }
0x137: {  	v3 =	vadd.s32 v47, v52;
	v1 =	vadd.s32 v2, v1;
	v2 =	vsel vm0, $0x1, v17  }
0x138: {  	s0 =	simm.s32 $0x10900;
	v4 =	vadd.s32 v46, v52;
	v1 =	vadd.s32 v2, v1  }
0x139: {  	v2 =	vadd.s32 v45, v52;
	[tilespmem:s0+$0x0] =	vst v1  }
0x13a: {  	v5 =	vadd.s32 v43, v52;
	v1 =	vld.idx.msk [tilespmem:v60+s13+$0x0], $0xffff  }
0x13b: {  	s1 =	simm.s32 $0x120;
	v53 =	vadd.s32 v42, v52;
	v54 =	vadd.s32 v41, v52;
	v6 =	vld.idx.msk [tilespmem:v62+s13+$0x0], $0xffff  }
0x13c: {  	v55 =	vadd.s32 v40, v52;
	v57 =	vadd.s32 v44, v52;
	v62 =	vmov s1;
	v3 =	vld.idx.msk [tilespmem:v3+s13+$0x0], $0xffff  }
0x13d: {  	v56 =	vadd.s32 v37, v52;
	v58 =	vadd.s32 v36, v52;
	v4 =	vld.idx.msk [tilespmem:v4+s13+$0x0], $0xffff;
	v50 =	vshll.u32 v62, $0x7  }
0x13e: {  	v59 =	vadd.s32 v38, v52;
	v61 =	vadd.s32 v33, v52;
	v50 =	vor.u32 v0, v50;
	v2 =	vld.idx.msk [tilespmem:v2+s13+$0x0], $0xffff  }
0x13f: {  	v60 =	vadd.s32 v39, v52;
	v5 =	vld.idx.msk [tilespmem:v5+s13+$0x0], $0xffff;
	v62 =	vadd.s32 v31, v52;
	v51 =	vadd.s32 v48, v50  }
0x140: {  	v53 =	vld.idx.msk [tilespmem:v53+s13+$0x0], $0xffff;
	v52 =	vadd.s32 v49, v50;
	vm0 =	vgt.f32 v1, v34;
	vm1 =	vgt.f32 v6, v35  }
0x141: {  	v1 =	vld.idx.msk [tilespmem:v54+s13+$0x0], $0xffff;
	v6 =	vsel vm0, $0x8000, v17;
	v63 =	vsel vm1, $0x4000, v17;
	vm0 =	vgt.f32 v3, v32  }
0x142: {  	v3 =	vld.idx.msk [tilespmem:v55+s13+$0x0], $0xffff;
	v6 =	vor.u32 v6, v63;
	v63 =	vsel vm0, $0x2000, v17;
	vm0 =	vgt.f32 v4, v30  }
0x143: {  	v4 =	vld.idx.msk [tilespmem:v56+s13+$0x0], $0xffff;
	v6 =	vor.u32 v63, v6;
	v63 =	vsel vm0, $0x1000, v17;
	vm0 =	vgt.f32 v2, v29  }
0x144: {  	v2 =	vld.idx.msk [tilespmem:v58+s13+$0x0], $0xffff;
	v6 =	vor.u32 v63, v6;
	v58 =	vsel vm0, $0x800, v17;
	vm0 =	vgt.f32 v5, v28  }
0x145: {  	v5 =	vld.idx.msk [tilespmem:v61+s13+$0x0], $0xffff;
	v6 =	vor.u32 v58, v6;
	v61 =	vsel vm0, $0x400, v17;
	vm0 =	vgt.f32 v53, v27  }
0x146: {  	v63 =	vld.idx.msk [tilespmem:v62+s13+$0x0], $0xffff;
	v6 =	vor.u32 v61, v6;
	v53 =	vsel vm0, $0x200, v17;
	vm0 =	vgt.f32 v1, v26  }
0x147: {  	v1 =	vor.u32 v53, v6;
	v6 =	vsel vm0, $0x100, v17;
	vm0 =	vgt.f32 v3, v25;
	v53 =	vld.idx.msk [tilespmem:v59+s13+$0x0], $0xffff  }
0x148: {  	v54 =	vld.idx.msk [tilespmem:v60+s13+$0x0], $0xffff;
	v1 =	vadd.s32 v6, v1;
	v3 =	vsel vm0, $0x80, v17;
	vm0 =	vgt.f32 v4, v24  }
0x149: {  	v55 =	vld.idx.msk [tilespmem:v57+s13+$0x0], $0xffff;
	v1 =	vadd.s32 v3, v1;
	v3 =	vsel vm0, $0x40, v17;
	vm0 =	vgt.f32 v2, v23  }
0x14a: {  	v1 =	vadd.s32 v3, v1;
	v2 =	vsel vm0, $0x20, v17;
	vm0 =	vgt.f32 v5, v22  }
0x14b: {  	s4 =	simm.s32 $0x130;
	v56 =	vadd.s32 v2, v1;
	v57 =	vsel vm0, $0x10, v17;
	vm0 =	vgt.f32 v63, v21  }
.LBB2_8:
0x14c: {  	p0 =	sne.s32 s4, $0x170;
	v1 =	vadd.s32 v57, v56;
	v2 =	vsel vm0, $0x8, v17;
	vm0 =	vgt.f32 v53, v20  }
0x14d: {  	v1 =	vadd.s32 v2, v1;
	v2 =	vsel vm0, $0x4, v17;
	vm0 =	vgt.f32 v54, v19  }
0x14e: {  	v1 =	vadd.s32 v2, v1;
	v2 =	vsel vm0, $0x2, v17;
	vm0 =	vgt.f32 v55, v18  }
0x14f: {  	v3 =	vadd.s32 v47, v50;
	v1 =	vadd.s32 v2, v1;
	v2 =	vsel vm0, $0x1, v17  }
0x150: {  	v4 =	vadd.s32 v46, v50;
	s0 =	sadd.s32 $0x10, s0;
	v1 =	vadd.s32 v2, v1  }
0x151: {  	v2 =	vadd.s32 v45, v50;
	[tilespmem:s0+$0x0] =	vst v1  }
0x152: {  	v5 =	vadd.s32 v43, v50;
	v1 =	vld.idx.msk [tilespmem:v51+s13+$0x0], $0xffff  }
0x153: {  	v6 =	vld.idx.msk [tilespmem:v52+s13+$0x0], $0xffff;
	v52 =	vadd.s32 v42, v50  }
0x154: {  	v53 =	vadd.s32 v41, v50;
	v51 =	vmov s4;
	v3 =	vld.idx.msk [tilespmem:v3+s13+$0x0], $0xffff  }
0x155: {  	v54 =	vadd.s32 v40, v50;
	v51 =	vshll.u32 v51, $0x7;
	v4 =	vld.idx.msk [tilespmem:v4+s13+$0x0], $0xffff  }
0x156: {  	v56 =	vadd.s32 v37, v50;
	v57 =	vadd.s32 v44, v50;
	v55 =	vor.u32 v0, v51;
	v2 =	vld.idx.msk [tilespmem:v2+s13+$0x0], $0xffff  }
0x157: {  	v58 =	vadd.s32 v36, v50;
	v59 =	vadd.s32 v38, v50;
	v60 =	vadd.s32 v39, v50;
	v5 =	vld.idx.msk [tilespmem:v5+s13+$0x0], $0xffff  }
0x158: {  	v62 =	vadd.s32 v33, v50;
	v63 =	vadd.s32 v31, v50;
	v51 =	vadd.s32 v48, v55;
	v61 =	vld.idx.msk [tilespmem:v52+s13+$0x0], $0xffff  }
0x159: {  	vm0 =	vgt.f32 v1, v34;
	v52 =	vadd.s32 v49, v55;
	vm1 =	vgt.f32 v6, v35;
	v1 =	vld.idx.msk [tilespmem:v53+s13+$0x0], $0xffff  }
0x15a: {  	v50 =	vmovc v55;
	v6 =	vsel vm0, $0x8000, v17;
	v53 =	vsel vm1, $0x4000, v17;
	vm0 =	vgt.f32 v3, v32;
	v3 =	vld.idx.msk [tilespmem:v54+s13+$0x0], $0xffff  }
0x15b: {  	v6 =	vor.u32 v6, v53;
	v53 =	vsel vm0, $0x2000, v17;
	vm0 =	vgt.f32 v4, v30;
	v4 =	vld.idx.msk [tilespmem:v56+s13+$0x0], $0xffff  }
0x15c: {  	v6 =	vor.u32 v53, v6;
	v53 =	vsel vm0, $0x1000, v17;
	vm0 =	vgt.f32 v2, v29;
	v2 =	vld.idx.msk [tilespmem:v58+s13+$0x0], $0xffff  }
0x15d: {  	v6 =	vor.u32 v53, v6;
	v53 =	vsel vm0, $0x800, v17;
	vm0 =	vgt.f32 v5, v28;
	v5 =	vld.idx.msk [tilespmem:v62+s13+$0x0], $0xffff  }
0x15e: {  	v6 =	vor.u32 v53, v6;
	v53 =	vsel vm0, $0x400, v17;
	vm0 =	vgt.f32 v61, v27;
	v58 =	vld.idx.msk [tilespmem:v63+s13+$0x0], $0xffff  }
0x15f: {  	v6 =	vor.u32 v53, v6;
	v54 =	vsel vm0, $0x200, v17;
	vm0 =	vgt.f32 v1, v26;
	v53 =	vld.idx.msk [tilespmem:v59+s13+$0x0], $0xffff  }
.Ltmp3:
0x160: {  	v1 =	vor.u32 v54, v6;
	v6 =	vsel vm0, $0x100, v17;
	vm0 =	vgt.f32 v3, v25;
	v54 =	vld.idx.msk [tilespmem:v60+s13+$0x0], $0xffff;
	(pc) =	sbr.rel @p0 .LBB2_8-.Ltmp3, $4  }
0x161: {  	v1 =	vadd.s32 v6, v1;
	v3 =	vsel vm0, $0x80, v17;
	vm0 =	vgt.f32 v4, v24;
	v55 =	vld.idx.msk [tilespmem:v57+s13+$0x0], $0xffff  }
0x162: {  	v1 =	vadd.s32 v3, v1;
	v3 =	vsel vm0, $0x40, v17;
	vm0 =	vgt.f32 v2, v23  }
0x163: {  	v1 =	vadd.s32 v3, v1;
	v2 =	vsel vm0, $0x20, v17;
	vm0 =	vgt.f32 v5, v22  }
0x164: {  	s4 =	sadd.s32 $0x10, s4;
	v56 =	vadd.s32 v2, v1;
	v57 =	vsel vm0, $0x10, v17;
	vm0 =	vgt.f32 v58, v21  }
0x165: {  	v1 =	vadd.s32 v57, v56;
	v2 =	vsel vm0, $0x8, v17;
	vm0 =	vgt.f32 v53, v20  }
0x166: {  	v1 =	vadd.s32 v2, v1;
	v2 =	vsel vm0, $0x4, v17;
	vm0 =	vgt.f32 v54, v19  }
0x167: {  	v1 =	vadd.s32 v2, v1;
	v2 =	vsel vm0, $0x2, v17;
	vm0 =	vgt.f32 v55, v18  }
0x168: {  	v3 =	vadd.s32 v47, v50;
	v1 =	vadd.s32 v2, v1;
	v2 =	vsel vm0, $0x1, v17  }
0x169: {  	v4 =	vadd.s32 v46, v50;
	s0 =	sadd.s32 $0x10, s0;
	v1 =	vadd.s32 v2, v1  }
0x16a: {  	v2 =	vadd.s32 v45, v50;
	[tilespmem:s0+$0x0] =	vst v1  }
0x16b: {  	v5 =	vadd.s32 v43, v50;
	v1 =	vld.idx.msk [tilespmem:v51+s13+$0x0], $0xffff  }
0x16c: {  	v6 =	vld.idx.msk [tilespmem:v52+s13+$0x0], $0xffff;
	v51 =	vadd.s32 v42, v50  }
0x16d: {  	v60 =	vadd.s32 v41, v50;
	v3 =	vld.idx.msk [tilespmem:v3+s13+$0x0], $0xffff  }
0x16e: {  	v61 =	vadd.s32 v40, v50;
	v4 =	vld.idx.msk [tilespmem:v4+s13+$0x0], $0xffff  }
0x16f: {  	v62 =	vadd.s32 v37, v50;
	v63 =	vadd.s32 v36, v50;
	v57 =	vadd.s32 v38, v50;
	v2 =	vld.idx.msk [tilespmem:v2+s13+$0x0], $0xffff  }
0x170: {  	v58 =	vadd.s32 v39, v50;
	v59 =	vadd.s32 v33, v50;
	v55 =	vadd.s32 v44, v50;
	v5 =	vld.idx.msk [tilespmem:v5+s13+$0x0], $0xffff  }
0x171: {  	v50 =	vadd.s32 v31, v50;
	v51 =	vld.idx.msk [tilespmem:v51+s13+$0x0], $0xffff;
	vm0 =	vgt.f32 v1, v34;
	vm1 =	vgt.f32 v6, v35  }
0x172: {  	v1 =	vld.idx.msk [tilespmem:v60+s13+$0x0], $0xffff;
	v6 =	vsel vm0, $0x8000, v17;
	v60 =	vsel vm1, $0x4000, v17;
	vm0 =	vgt.f32 v3, v32  }
0x173: {  	v3 =	vld.idx.msk [tilespmem:v61+s13+$0x0], $0xffff;
	v6 =	vor.u32 v6, v60;
	v61 =	vsel vm0, $0x2000, v17;
	vm0 =	vgt.f32 v4, v30  }
0x174: {  	v4 =	vld.idx.msk [tilespmem:v62+s13+$0x0], $0xffff;
	v6 =	vor.u32 v61, v6;
	v62 =	vsel vm0, $0x1000, v17;
	vm0 =	vgt.f32 v2, v29  }
0x175: {  	v2 =	vld.idx.msk [tilespmem:v63+s13+$0x0], $0xffff;
	v6 =	vor.u32 v62, v6;
	v63 =	vsel vm0, $0x800, v17;
	vm0 =	vgt.f32 v5, v28  }
0x176: {  	v5 =	vld.idx.msk [tilespmem:v59+s13+$0x0], $0xffff;
	v6 =	vor.u32 v63, v6;
	v56 =	vsel vm0, $0x400, v17;
	vm0 =	vgt.f32 v51, v27  }
0x177: {  	v50 =	vld.idx.msk [tilespmem:v50+s13+$0x0], $0xffff;
	v6 =	vor.u32 v56, v6;
	v51 =	vsel vm0, $0x200, v17;
	vm0 =	vgt.f32 v1, v26  }
0x178: {  	v1 =	vld.idx.msk [tilespmem:v57+s13+$0x0], $0xffff;
	v6 =	vor.u32 v51, v6;
	v57 =	vsel vm0, $0x100, v17;
	vm0 =	vgt.f32 v3, v25  }
0x179: {  	v3 =	vld.idx.msk [tilespmem:v58+s13+$0x0], $0xffff;
	v6 =	vadd.s32 v57, v6;
	v59 =	vsel vm0, $0x80, v17;
	vm0 =	vgt.f32 v4, v24  }
0x17a: {  	v4 =	vld.idx.msk [tilespmem:v55+s13+$0x0], $0xffff;
	v6 =	vadd.s32 v59, v6;
	v60 =	vsel vm0, $0x40, v17;
	vm0 =	vgt.f32 v2, v23  }
0x17b: {  	v2 =	vadd.s32 v60, v6;
	v6 =	vsel vm0, $0x20, v17;
	vm0 =	vgt.f32 v5, v22  }
0x17c: {  	v2 =	vadd.s32 v6, v2;
	v5 =	vsel vm0, $0x10, v17;
	vm0 =	vgt.f32 v50, v21  }
0x17d: {  	v2 =	vadd.s32 v5, v2;
	v5 =	vsel vm0, $0x8, v17;
	vm0 =	vgt.f32 v1, v20  }
0x17e: {  	v1 =	vadd.s32 v5, v2;
	v2 =	vsel vm0, $0x4, v17;
	vm0 =	vgt.f32 v3, v19  }
0x17f: {  	v1 =	vadd.s32 v2, v1;
	v2 =	vsel vm0, $0x2, v17;
	vm0 =	vgt.f32 v4, v18  }
0x180: {  	v1 =	vadd.s32 v2, v1;
	v2 =	vsel vm0, $0x1, v17  }
0x181: {  	s0 =	sadd.s32 $0x10, s0;
	v1 =	vadd.s32 v2, v1  }
0x182: {  	s1 =	simm.s32 $0x180;
	[tilespmem:s0+$0x0] =	vst v1  }
0x183: {  	v1 =	vmov s1;
	_ =	swait.ge [sflag:s28], $0x4000  }
0x184: {  	v1 =	vshll.u32 v1, $0x7;
	[sflag:s28] =	ssyncset.done $0x0  }
0x185: {  	v1 =	vor.u32 v0, v1;
	[sflag:s28] =	ssyncadd.s32 $0xFFFFC000  }
0x186: {  	v2 =	vadd.s32 v48, v1;
	[tilespmem:s21], [sflag:$0x3] =	stream.indirect.gather [hbm4b:s3+s22], $0x80, s20, s22, $0xb8;
	[tilespmem:$0x18A00] =	vst v63  }
0x187: {  	v3 =	vadd.s32 v49, v1;
	_ =	swait.ge [sflag:s29], $0x4000  }
0x188: {  	v4 =	vadd.s32 v47, v1;
	[sflag:s29] =	ssyncset.done $0x0  }
0x189: {  	s4 =	simm.s32 $0x190;
	v5 =	vadd.s32 v46, v1;
	[sflag:s29] =	ssyncadd.s32 $0xFFFFC000  }
0x18a: {  	v6 =	vadd.s32 v45, v1;
	[hbm4b:s9+s5] =	stream.linear.scatter [tilespmem:s24], [sflag:$0x6], $0x4000, $0x38;
	[tilespmem:$0x18A00] =	vst v63  }
0x18b: {  	v62 =	vmov s4;
	v61 =	vadd.s32 v43, v1;
	v2 =	vld.idx.msk [tilespmem:v2+s13+$0x0], $0xffff  }
0x18c: {  	v52 =	vshll.u32 v62, $0x7;
	v51 =	vadd.s32 v42, v1;
	v3 =	vld.idx.msk [tilespmem:v3+s13+$0x0], $0xffff  }
0x18d: {  	v52 =	vor.u32 v0, v52;
	v53 =	vadd.s32 v41, v1;
	v4 =	vld.idx.msk [tilespmem:v4+s13+$0x0], $0xffff  }
0x18e: {  	v62 =	vadd.s32 v49, v52;
	v60 =	vadd.s32 v48, v52;
	v54 =	vadd.s32 v40, v1;
	v5 =	vld.idx.msk [tilespmem:v5+s13+$0x0], $0xffff  }
0x18f: {  	v55 =	vadd.s32 v37, v1;
	v56 =	vadd.s32 v44, v1;
	v57 =	vadd.s32 v36, v1;
	v6 =	vld.idx.msk [tilespmem:v6+s13+$0x0], $0xffff  }
0x190: {  	v58 =	vadd.s32 v38, v1;
	v59 =	vadd.s32 v39, v1;
	v50 =	vld.idx.msk [tilespmem:v61+s13+$0x0], $0xffff;
	v61 =	vadd.s32 v33, v1  }
0x191: {  	v1 =	vadd.s32 v31, v1;
	v51 =	vld.idx.msk [tilespmem:v51+s13+$0x0], $0xffff;
	vm0 =	vgt.f32 v2, v34;
	vm1 =	vgt.f32 v3, v35  }
0x192: {  	v2 =	vld.idx.msk [tilespmem:v53+s13+$0x0], $0xffff;
	v3 =	vsel vm0, $0x8000, v17;
	v63 =	vsel vm1, $0x4000, v17;
	vm0 =	vgt.f32 v4, v32  }
0x193: {  	v4 =	vld.idx.msk [tilespmem:v54+s13+$0x0], $0xffff;
	v3 =	vor.u32 v3, v63;
	v63 =	vsel vm0, $0x2000, v17;
	vm0 =	vgt.f32 v5, v30  }
0x194: {  	v5 =	vld.idx.msk [tilespmem:v55+s13+$0x0], $0xffff;
	v3 =	vor.u32 v63, v3;
	v63 =	vsel vm0, $0x1000, v17;
	vm0 =	vgt.f32 v6, v29  }
0x195: {  	v6 =	vld.idx.msk [tilespmem:v57+s13+$0x0], $0xffff;
	v3 =	vor.u32 v63, v3;
	v57 =	vsel vm0, $0x800, v17;
	vm0 =	vgt.f32 v50, v28  }
0x196: {  	v63 =	vld.idx.msk [tilespmem:v61+s13+$0x0], $0xffff;
	v3 =	vor.u32 v57, v3;
	v57 =	vsel vm0, $0x400, v17;
	vm0 =	vgt.f32 v51, v27  }
0x197: {  	v1 =	vld.idx.msk [tilespmem:v1+s13+$0x0], $0xffff;
	v3 =	vor.u32 v57, v3;
	v51 =	vsel vm0, $0x200, v17;
	vm0 =	vgt.f32 v2, v26  }
0x198: {  	v2 =	vld.idx.msk [tilespmem:v58+s13+$0x0], $0xffff;
	v3 =	vor.u32 v51, v3;
	v58 =	vsel vm0, $0x100, v17;
	vm0 =	vgt.f32 v4, v25  }
0x199: {  	v4 =	vld.idx.msk [tilespmem:v59+s13+$0x0], $0xffff;
	v3 =	vadd.s32 v58, v3;
	v59 =	vsel vm0, $0x80, v17;
	vm0 =	vgt.f32 v5, v24  }
0x19a: {  	v5 =	vld.idx.msk [tilespmem:v56+s13+$0x0], $0xffff;
	v3 =	vadd.s32 v59, v3;
	v61 =	vsel vm0, $0x40, v17;
	vm0 =	vgt.f32 v6, v23  }
0x19b: {  	v3 =	vadd.s32 v61, v3;
	v6 =	vsel vm0, $0x20, v17;
	vm0 =	vgt.f32 v63, v22  }
0x19c: {  	v3 =	vadd.s32 v6, v3;
	v6 =	vsel vm0, $0x10, v17;
	vm0 =	vgt.f32 v1, v21  }
0x19d: {  	v1 =	vadd.s32 v6, v3;
	v3 =	vsel vm0, $0x8, v17;
	vm0 =	vgt.f32 v2, v20  }
0x19e: {  	v1 =	vadd.s32 v3, v1;
	v2 =	vsel vm0, $0x4, v17;
	vm0 =	vgt.f32 v4, v19  }
0x19f: {  	v1 =	vadd.s32 v2, v1;
	v2 =	vsel vm0, $0x2, v17;
	vm0 =	vgt.f32 v5, v18  }
0x1a0: {  	v3 =	vadd.s32 v47, v52;
	v1 =	vadd.s32 v2, v1;
	v2 =	vsel vm0, $0x1, v17  }
0x1a1: {  	s0 =	simm.s32 $0x10980;
	v4 =	vadd.s32 v46, v52;
	v1 =	vadd.s32 v2, v1  }
0x1a2: {  	v2 =	vadd.s32 v45, v52;
	[tilespmem:s0+$0x0] =	vst v1  }
0x1a3: {  	v5 =	vadd.s32 v43, v52;
	v1 =	vld.idx.msk [tilespmem:v60+s13+$0x0], $0xffff  }
0x1a4: {  	s1 =	simm.s32 $0x1A0;
	v53 =	vadd.s32 v42, v52;
	v54 =	vadd.s32 v41, v52;
	v6 =	vld.idx.msk [tilespmem:v62+s13+$0x0], $0xffff  }
0x1a5: {  	v55 =	vadd.s32 v40, v52;
	v57 =	vadd.s32 v44, v52;
	v62 =	vmov s1;
	v3 =	vld.idx.msk [tilespmem:v3+s13+$0x0], $0xffff  }
0x1a6: {  	v56 =	vadd.s32 v37, v52;
	v58 =	vadd.s32 v36, v52;
	v4 =	vld.idx.msk [tilespmem:v4+s13+$0x0], $0xffff;
	v50 =	vshll.u32 v62, $0x7  }
0x1a7: {  	v59 =	vadd.s32 v38, v52;
	v61 =	vadd.s32 v33, v52;
	v50 =	vor.u32 v0, v50;
	v2 =	vld.idx.msk [tilespmem:v2+s13+$0x0], $0xffff  }
0x1a8: {  	v60 =	vadd.s32 v39, v52;
	v5 =	vld.idx.msk [tilespmem:v5+s13+$0x0], $0xffff;
	v62 =	vadd.s32 v31, v52;
	v51 =	vadd.s32 v48, v50  }
0x1a9: {  	v53 =	vld.idx.msk [tilespmem:v53+s13+$0x0], $0xffff;
	v52 =	vadd.s32 v49, v50;
	vm0 =	vgt.f32 v1, v34;
	vm1 =	vgt.f32 v6, v35  }
0x1aa: {  	v1 =	vld.idx.msk [tilespmem:v54+s13+$0x0], $0xffff;
	v6 =	vsel vm0, $0x8000, v17;
	v63 =	vsel vm1, $0x4000, v17;
	vm0 =	vgt.f32 v3, v32  }
0x1ab: {  	v3 =	vld.idx.msk [tilespmem:v55+s13+$0x0], $0xffff;
	v6 =	vor.u32 v6, v63;
	v63 =	vsel vm0, $0x2000, v17;
	vm0 =	vgt.f32 v4, v30  }
0x1ac: {  	v4 =	vld.idx.msk [tilespmem:v56+s13+$0x0], $0xffff;
	v6 =	vor.u32 v63, v6;
	v63 =	vsel vm0, $0x1000, v17;
	vm0 =	vgt.f32 v2, v29  }
0x1ad: {  	v2 =	vld.idx.msk [tilespmem:v58+s13+$0x0], $0xffff;
	v6 =	vor.u32 v63, v6;
	v58 =	vsel vm0, $0x800, v17;
	vm0 =	vgt.f32 v5, v28  }
0x1ae: {  	v5 =	vld.idx.msk [tilespmem:v61+s13+$0x0], $0xffff;
	v6 =	vor.u32 v58, v6;
	v61 =	vsel vm0, $0x400, v17;
	vm0 =	vgt.f32 v53, v27  }
0x1af: {  	v63 =	vld.idx.msk [tilespmem:v62+s13+$0x0], $0xffff;
	v6 =	vor.u32 v61, v6;
	v53 =	vsel vm0, $0x200, v17;
	vm0 =	vgt.f32 v1, v26  }
0x1b0: {  	v1 =	vor.u32 v53, v6;
	v6 =	vsel vm0, $0x100, v17;
	vm0 =	vgt.f32 v3, v25;
	v53 =	vld.idx.msk [tilespmem:v59+s13+$0x0], $0xffff  }
0x1b1: {  	v54 =	vld.idx.msk [tilespmem:v60+s13+$0x0], $0xffff;
	v1 =	vadd.s32 v6, v1;
	v3 =	vsel vm0, $0x80, v17;
	vm0 =	vgt.f32 v4, v24  }
0x1b2: {  	v55 =	vld.idx.msk [tilespmem:v57+s13+$0x0], $0xffff;
	v1 =	vadd.s32 v3, v1;
	v3 =	vsel vm0, $0x40, v17;
	vm0 =	vgt.f32 v2, v23  }
0x1b3: {  	v1 =	vadd.s32 v3, v1;
	v2 =	vsel vm0, $0x20, v17;
	vm0 =	vgt.f32 v5, v22  }
0x1b4: {  	s4 =	simm.s32 $0x1B0;
	v56 =	vadd.s32 v2, v1;
	v57 =	vsel vm0, $0x10, v17;
	vm0 =	vgt.f32 v63, v21  }
.LBB2_10:
0x1b5: {  	p0 =	sne.s32 s4, $0x1F0;
	v1 =	vadd.s32 v57, v56;
	v2 =	vsel vm0, $0x8, v17;
	vm0 =	vgt.f32 v53, v20  }
0x1b6: {  	v1 =	vadd.s32 v2, v1;
	v2 =	vsel vm0, $0x4, v17;
	vm0 =	vgt.f32 v54, v19  }
0x1b7: {  	v1 =	vadd.s32 v2, v1;
	v2 =	vsel vm0, $0x2, v17;
	vm0 =	vgt.f32 v55, v18  }
0x1b8: {  	v3 =	vadd.s32 v47, v50;
	v1 =	vadd.s32 v2, v1;
	v2 =	vsel vm0, $0x1, v17  }
0x1b9: {  	v4 =	vadd.s32 v46, v50;
	s0 =	sadd.s32 $0x10, s0;
	v1 =	vadd.s32 v2, v1  }
0x1ba: {  	v2 =	vadd.s32 v45, v50;
	[tilespmem:s0+$0x0] =	vst v1  }
0x1bb: {  	v5 =	vadd.s32 v43, v50;
	v1 =	vld.idx.msk [tilespmem:v51+s13+$0x0], $0xffff  }
0x1bc: {  	v6 =	vld.idx.msk [tilespmem:v52+s13+$0x0], $0xffff;
	v52 =	vadd.s32 v42, v50  }
0x1bd: {  	v53 =	vadd.s32 v41, v50;
	v51 =	vmov s4;
	v3 =	vld.idx.msk [tilespmem:v3+s13+$0x0], $0xffff  }
0x1be: {  	v54 =	vadd.s32 v40, v50;
	v51 =	vshll.u32 v51, $0x7;
	v4 =	vld.idx.msk [tilespmem:v4+s13+$0x0], $0xffff  }
0x1bf: {  	v56 =	vadd.s32 v37, v50;
	v57 =	vadd.s32 v44, v50;
	v55 =	vor.u32 v0, v51;
	v2 =	vld.idx.msk [tilespmem:v2+s13+$0x0], $0xffff  }
0x1c0: {  	v58 =	vadd.s32 v36, v50;
	v59 =	vadd.s32 v38, v50;
	v60 =	vadd.s32 v39, v50;
	v5 =	vld.idx.msk [tilespmem:v5+s13+$0x0], $0xffff  }
0x1c1: {  	v62 =	vadd.s32 v33, v50;
	v63 =	vadd.s32 v31, v50;
	v51 =	vadd.s32 v48, v55;
	v61 =	vld.idx.msk [tilespmem:v52+s13+$0x0], $0xffff  }
0x1c2: {  	vm0 =	vgt.f32 v1, v34;
	v52 =	vadd.s32 v49, v55;
	vm1 =	vgt.f32 v6, v35;
	v1 =	vld.idx.msk [tilespmem:v53+s13+$0x0], $0xffff  }
0x1c3: {  	v50 =	vmovc v55;
	v6 =	vsel vm0, $0x8000, v17;
	v53 =	vsel vm1, $0x4000, v17;
	vm0 =	vgt.f32 v3, v32;
	v3 =	vld.idx.msk [tilespmem:v54+s13+$0x0], $0xffff  }
0x1c4: {  	v6 =	vor.u32 v6, v53;
	v53 =	vsel vm0, $0x2000, v17;
	vm0 =	vgt.f32 v4, v30;
	v4 =	vld.idx.msk [tilespmem:v56+s13+$0x0], $0xffff  }
0x1c5: {  	v6 =	vor.u32 v53, v6;
	v53 =	vsel vm0, $0x1000, v17;
	vm0 =	vgt.f32 v2, v29;
	v2 =	vld.idx.msk [tilespmem:v58+s13+$0x0], $0xffff  }
0x1c6: {  	v6 =	vor.u32 v53, v6;
	v53 =	vsel vm0, $0x800, v17;
	vm0 =	vgt.f32 v5, v28;
	v5 =	vld.idx.msk [tilespmem:v62+s13+$0x0], $0xffff  }
0x1c7: {  	v6 =	vor.u32 v53, v6;
	v53 =	vsel vm0, $0x400, v17;
	vm0 =	vgt.f32 v61, v27;
	v58 =	vld.idx.msk [tilespmem:v63+s13+$0x0], $0xffff  }
0x1c8: {  	v6 =	vor.u32 v53, v6;
	v54 =	vsel vm0, $0x200, v17;
	vm0 =	vgt.f32 v1, v26;
	v53 =	vld.idx.msk [tilespmem:v59+s13+$0x0], $0xffff  }
.Ltmp4:
0x1c9: {  	v1 =	vor.u32 v54, v6;
	v6 =	vsel vm0, $0x100, v17;
	vm0 =	vgt.f32 v3, v25;
	v54 =	vld.idx.msk [tilespmem:v60+s13+$0x0], $0xffff;
	(pc) =	sbr.rel @p0 .LBB2_10-.Ltmp4, $4  }
0x1ca: {  	v1 =	vadd.s32 v6, v1;
	v3 =	vsel vm0, $0x80, v17;
	vm0 =	vgt.f32 v4, v24;
	v55 =	vld.idx.msk [tilespmem:v57+s13+$0x0], $0xffff  }
0x1cb: {  	v1 =	vadd.s32 v3, v1;
	v3 =	vsel vm0, $0x40, v17;
	vm0 =	vgt.f32 v2, v23  }
0x1cc: {  	v1 =	vadd.s32 v3, v1;
	v2 =	vsel vm0, $0x20, v17;
	vm0 =	vgt.f32 v5, v22  }
0x1cd: {  	s4 =	sadd.s32 $0x10, s4;
	v56 =	vadd.s32 v2, v1;
	v57 =	vsel vm0, $0x10, v17;
	vm0 =	vgt.f32 v58, v21  }
0x1ce: {  	v1 =	vadd.s32 v57, v56;
	v2 =	vsel vm0, $0x8, v17;
	vm10 =	vgt.f32 v53, v20  }
0x1cf: {  	vm11 =	vgt.f32 v54, v19;
	v1 =	vadd.s32 v2, v1;
	v2 =	vsel vm10, $0x4, v17  }
0x1d0: {  	vm12 =	vgt.f32 v55, v18;
	v1 =	vadd.s32 v2, v1;
	v2 =	vsel vm11, $0x2, v17  }
0x1d1: {  	v3 =	vadd.s32 v47, v50;
	v1 =	vadd.s32 v2, v1;
	v2 =	vsel vm12, $0x1, v17  }
0x1d2: {  	v4 =	vadd.s32 v46, v50;
	s0 =	sadd.s32 $0x10, s0;
	v1 =	vadd.s32 v2, v1  }
0x1d3: {  	v2 =	vadd.s32 v45, v50;
	[tilespmem:s0+$0x0] =	vst v1  }
0x1d4: {  	v5 =	vadd.s32 v43, v50;
	v1 =	vld.idx.msk [tilespmem:v51+s13+$0x0], $0xffff  }
0x1d5: {  	v42 =	vadd.s32 v42, v50;
	v6 =	vld.idx.msk [tilespmem:v52+s13+$0x0], $0xffff  }
0x1d6: {  	v41 =	vadd.s32 v41, v50;
	v3 =	vld.idx.msk [tilespmem:v3+s13+$0x0], $0xffff  }
0x1d7: {  	v40 =	vadd.s32 v40, v50;
	v4 =	vld.idx.msk [tilespmem:v4+s13+$0x0], $0xffff  }
0x1d8: {  	v37 =	vadd.s32 v37, v50;
	v60 =	vadd.s32 v44, v50;
	v36 =	vadd.s32 v36, v50;
	v2 =	vld.idx.msk [tilespmem:v2+s13+$0x0], $0xffff  }
0x1d9: {  	v38 =	vadd.s32 v38, v50;
	v39 =	vadd.s32 v39, v50;
	v33 =	vadd.s32 v33, v50;
	v5 =	vld.idx.msk [tilespmem:v5+s13+$0x0], $0xffff  }
0x1da: {  	v31 =	vadd.s32 v31, v50;
	v42 =	vld.idx.msk [tilespmem:v42+s13+$0x0], $0xffff;
	vm13 =	vgt.f32 v1, v34;
	vm1 =	vgt.f32 v6, v35  }
0x1db: {  	v1 =	vld.idx.msk [tilespmem:v41+s13+$0x0], $0xffff;
	vm14 =	vgt.f32 v3, v32;
	v6 =	vsel vm13, $0x8000, v17;
	v61 =	vsel vm1, $0x4000, v17  }
0x1dc: {  	v3 =	vld.idx.msk [tilespmem:v40+s13+$0x0], $0xffff;
	vm15 =	vgt.f32 v4, v30;
	v32 =	vsel vm14, $0x2000, v17;
	v6 =	vor.u32 v6, v61  }
0x1dd: {  	v4 =	vld.idx.msk [tilespmem:v37+s13+$0x0], $0xffff;
	v30 =	vsel vm15, $0x1000, v17;
	v6 =	vor.u32 v32, v6;
	vm4 =	vgt.f32 v2, v29  }
0x1de: {  	vm5 =	vgt.f32 v5, v28;
	v2 =	vld.idx.msk [tilespmem:v36+s13+$0x0], $0xffff;
	v6 =	vor.u32 v30, v6;
	v29 =	vsel vm4, $0x800, v17  }
0x1df: {  	v5 =	vld.idx.msk [tilespmem:v33+s13+$0x0], $0xffff;
	vm6 =	vgt.f32 v42, v27;
	v28 =	vsel vm5, $0x400, v17;
	v6 =	vor.u32 v29, v6  }
0x1e0: {  	v62 =	vld.idx.msk [tilespmem:v31+s13+$0x0], $0xffff;
	v63 =	vsel vm6, $0x200, v17;
	vm7 =	vgt.f32 v1, v26;
	v6 =	vor.u32 v28, v6  }
0x1e1: {  	v1 =	vld.idx.msk [tilespmem:v38+s13+$0x0], $0xffff;
	vm8 =	vgt.f32 v3, v25;
	v26 =	vsel vm7, $0x100, v17;
	v6 =	vor.u32 v63, v6  }
0x1e2: {  	v3 =	vld.idx.msk [tilespmem:v39+s13+$0x0], $0xffff;
	vm9 =	vgt.f32 v4, v24;
	v25 =	vsel vm8, $0x80, v17;
	v6 =	vadd.s32 v26, v6  }
0x1e3: {  	v4 =	vld.idx.msk [tilespmem:v60+s13+$0x0], $0xffff;
	v24 =	vsel vm9, $0x40, v17;
	vm10 =	vgt.f32 v2, v23;
	v6 =	vadd.s32 v25, v6  }
0x1e4: {  	vm11 =	vgt.f32 v5, v22;
	v2 =	vadd.s32 v24, v6;
	v6 =	vsel vm10, $0x20, v17  }
0x1e5: {  	vm12 =	vgt.f32 v62, v21;
	v5 =	vsel vm11, $0x10, v17;
	v2 =	vadd.s32 v6, v2  }
0x1e6: {  	vm13 =	vgt.f32 v1, v20;
	v2 =	vadd.s32 v5, v2;
	v5 =	vsel vm12, $0x8, v17  }
0x1e7: {  	vm14 =	vgt.f32 v3, v19;
	v1 =	vadd.s32 v5, v2;
	v2 =	vsel vm13, $0x4, v17  }
0x1e8: {  	vm15 =	vgt.f32 v4, v18;
	v1 =	vadd.s32 v2, v1;
	v2 =	vsel vm14, $0x2, v17  }
0x1e9: {  	v1 =	vadd.s32 v2, v1;
	v2 =	vsel vm15, $0x1, v17  }
0x1ea: {  	s0 =	sadd.s32 $0x10, s0;
	v1 =	vadd.s32 v2, v1  }
0x1eb: {  	[tilespmem:s0+$0x0] =	vst v1  }
0x1ec: {  	_ =	swait.ge [sflag:s30], $0x4000  }
0x1ed: {  	[sflag:s30] =	ssyncset.done $0x0  }
0x1ee: {  	[sflag:s30] =	ssyncadd.s32 $0xFFFFC000  }
0x1ef: {  	[tilespmem:s24], [sflag:$0x4] =	stream.indirect.gather [hbm4b:s3+s22], $0x80, s23, s22, $0xb8;
	[tilespmem:$0x18A00] =	vst v63  }
0x1f0: {  	_ =	swait.ge [sflag:s25], $0x4000  }
0x1f1: {  	[sflag:s25] =	ssyncset.done $0x0  }
0x1f2: {  	[sflag:s25] =	ssyncadd.s32 $0xFFFFC000  }
0x1f3: {  	[hbm4b:s10+s5] =	stream.linear.scatter [tilespmem:s21], [sflag:$0x5], $0x4000, $0x38;
	[tilespmem:$0x18A00] =	vst v63  }
0x1f4: {  	_ =	swait.ge [sflag:s29], $0x4000  }
0x1f5: {  	[sflag:s29] =	ssyncset.done $0x0  }
0x1f6: {  	s31 =	sadd.s32 $0x1, s31;
	[sflag:s29] =	ssyncadd.s32 $0xFFFFC000  }
0x1f7: {  	[hbm4b:s11+s5] =	stream.linear.scatter [tilespmem:s24], [sflag:$0x6], $0x4000, $0x38;
	[tilespmem:$0x18A00] =	vst v63  }
0x1f8: {  	p0 =	sne.s32 s31, s12;
	_ =	swait.ge [sflag:s28], $0x4000  }
.Ltmp5:
0x1f9: {  	[sflag:s28] =	ssyncset.done $0x0;
	(pc) =	sbr.rel @p0 .LBB2_1-.Ltmp5, $4  }
0x1fa: {  	[sflag:s28] =	ssyncadd.s32 $0xFFFFC000  }
0x1fb: {  	_ =	swait.ge [sflag:s30], $0x4000  }
0x1fc: {  	[sflag:s30] =	ssyncset.done $0x0  }
0x1fd: {  	[sflag:s30] =	ssyncadd.s32 $0xFFFFC000  }
0x1fe: {  	_ =	sfence.sel $0x180000  }
0x1ff: {  	[bflag:$0x0] =	sbarrier.arrive $0xFFFF  }
0x200: {  	_ =	strace $0x90000047  }
0x201: {  	s0 =	stileid.u32;
	[bflag:$0x2] =	sbarrier.arrive $0xFFFF  }
0x202: {  	p0 =	sne.s32 s0, $0x0;
	s0 =	rddreg [dreg:$0x5]  }
0x203: {  	s0 =	sadd.s32 @!p0 $0x100000, s0  }
0x204: {  	[sflag:s0] =	ssyncadd.tile.s32 @!p0 $0x1;
	_ =	shalt  }
.Lfunc_end2:
_tile_overlayer_lowered:
.L_overlay_start_2:
0x205: {  	(tag) =	ssettag $0x2  }
0x206: {  	s0 =	rddreg [dreg:$0x0];
	s2 =	stileid.u32  }
0x207: {  	s1 =	rddreg [dreg:$0x1];
	p0 =	sne.s32 s2, $0x0  }
0x208: {  	s3 =	rddreg [dreg:$0x2];
	[bflag:$0x3] =	sbarrier.arrive $0xFFFF;
	s2 =	simm.s32 @!p0 $0x1C07  }
0x209: {  	[timem:s3], [sflag:s2] =	dma.local @!p0 [hbm:s0], s1  }
0x20a: {  	s0 =	simm.s32 @!p0 $0x7  }
0x20b: {  	_ =	swait.ge @!p0 [sflag:s0], s1  }
0x20c: {  	s1 =	ssub.s32 @!p0 $0x0, s1;
	[sflag:s0] =	ssyncset.done @!p0 $0x0  }
0x20d: {  	[sflag:s0] =	ssyncadd.s32 @!p0 s1  }
0x20e: {  	[bflag:$0x3] =	sbarrier.arrive $0xFFFF  }
0x20f: {  	_ =	shalt  }

</sc_bundles>
